<compile_context>
chip_gen: v7x
topology: tpu7x:2x2x1
jax: 0.10.2.dev20260603
libtpu: 0.0.44.dev20260713+nightly
codegen_flags: <defaults>
</compile_context>

<pallas_src>
import functools

import jax
import jax.numpy as jnp
from jax import lax
from jax.experimental import pallas as pl
from jax.experimental.pallas import tpu as pltpu
from jax.experimental.pallas import tpu_sc as plsc

N = 10000
E = 160000
F = 256
FH = 128
NC = 2
NS = 16
B = 128
NB = 80
E_PAD = NS * NB * B
N_PAD = 10240
RPT = N_PAD // NS
GROUPS = B // 16
FV = FH // 16


def _matmul_body(w_ref, x_ref, o_ref):
    o_ref[...] = jnp.dot(w_ref[...], x_ref[...],
                         preferred_element_type=jnp.float32)


def _support_halves(weights, input_feature):
    return pl.pallas_call(
        _matmul_body,
        grid=(NC, 25),
        in_specs=[
            pl.BlockSpec((400, F), lambda c, i: (i, 0)),
            pl.BlockSpec((F, FH), lambda c, i: (0, c)),
        ],
        out_specs=pl.BlockSpec((400, FH), lambda c, i: (c * 25 + i, 0)),
        out_shape=jax.ShapeDtypeStruct((NC * N, FH), jnp.float32),
    )(weights, input_feature)


def _splat_lane(v, lane):
    idx = jnp.full((16,), lane, dtype=jnp.int32)
    return lax.gather(
        v, idx[:, None],
        dimension_numbers=lax.GatherDimensionNumbers(
            offset_dims=(), collapsed_slice_dims=(0,), start_index_map=(0,)),
        slice_sizes=(1,),
        mode=lax.GatherScatterMode.PROMISE_IN_BOUNDS)


_MESH = plsc.VectorSubcoreMesh(core_axis_name="c", subcore_axis_name="s")


@functools.partial(
    pl.kernel,
    out_type=jax.ShapeDtypeStruct((NC * N_PAD, FH), jnp.float32),
    mesh=_MESH,
    scratch_types=[
        pltpu.VMEM((NB, B), jnp.int32),
        pltpu.VMEM((NB, B), jnp.int32),
        pltpu.VMEM((NB, B), jnp.float32),
        pltpu.VMEM((B, FH), jnp.float32),
        pltpu.VMEM_SHARED((N_PAD, FH), jnp.float32),
        pltpu.SemaphoreType.DMA,
    ],
)
def _spmm(sup_hbm, cols_hbm, rows_hbm, vals_hbm, zeros_hbm, out_hbm,
          cols_v, rows_v, vals_v, gbuf, acc, sem):
    c = lax.axis_index("c")
    s = lax.axis_index("s")

    pltpu.sync_copy(cols_hbm.at[c, s], cols_v)
    pltpu.sync_copy(rows_hbm.at[s], rows_v)
    pltpu.sync_copy(vals_hbm.at[s], vals_v)
    pltpu.sync_copy(zeros_hbm, acc.at[pl.ds(s * RPT, RPT)])
    plsc.subcore_barrier()

    def batch_body(b, carry):
        pltpu.async_copy(sup_hbm.at[cols_v.at[b]], gbuf, sem).wait()

        def group_body(g, carry2):
            vv = vals_v[b, pl.ds(g * 16, 16)]
            for e in range(16):
                sc = _splat_lane(vv, e)
                row = g * 16 + e
                for f in range(FV):
                    sl = pl.ds(f * 16, 16)
                    gbuf[row, sl] = gbuf[row, sl] * sc
            return carry2

        lax.fori_loop(0, GROUPS, group_body, 0)
        pltpu.sync_copy(gbuf, acc.at[rows_v.at[b]], add=True)
        return carry

    lax.fori_loop(0, NB, batch_body, 0)
    plsc.subcore_barrier()

    base = c * N_PAD + s * RPT
    pltpu.sync_copy(acc.at[pl.ds(s * RPT, RPT)],
                    out_hbm.at[pl.ds(base, RPT)])


@jax.jit
def kernel(adj_rows, adj_cols, adj_vals, input_feature, weights):
    support = _support_halves(weights, input_feature)

    pad = E_PAD - E
    cols = jnp.concatenate(
        [adj_cols.astype(jnp.int32), jnp.zeros((pad,), jnp.int32)])
    rows = jnp.concatenate(
        [adj_rows.astype(jnp.int32), jnp.zeros((pad,), jnp.int32)])
    vals = jnp.concatenate([adj_vals, jnp.zeros((pad,), jnp.float32)])
    cols_r = cols.reshape(NS, NB, B)
    cols2 = jnp.stack([cols_r, cols_r + N])
    rows_r = rows.reshape(NS, NB, B)
    vals_r = vals.reshape(NS, NB, B)
    zeros = jnp.zeros((RPT, FH), jnp.float32)

    out2 = _spmm(support, cols2, rows_r, vals_r, zeros)
    halves = out2.reshape(NC, N_PAD, FH)[:, :N]
    return halves.transpose(1, 0, 2).reshape(N, F)

# --- scband reference (transcript-rebuilt; emitter-appended) ---
"""Pipeline reference for scband-graph-convolution-66383014527236 (READ-ONLY COPY).

The authoritative reference and input builder live on the scoring server;
editing this copy changes nothing except your own understanding.
"""

import jax, jax.numpy as jnp
import numpy as np

N = 10000   # n_nodes == in_channels (module computes W @ X with adjacency [N, N])
E = 160000  # n_edges (nnz of sparse adjacency)
IN_CHANNELS = 10000
OUT_CHANNELS = 256
F = 256     # input_feature second dim


def setup_inputs(seed: int = 0) -> dict:
    key = jax.random.key(seed)
    k1, k2, k3, k4, k5 = jax.random.split(key, 5)
    adj_rows = jax.random.randint(k1, (E,), 0, N)
    adj_cols = jax.random.randint(k2, (E,), 0, N)
    adj_vals = jax.random.uniform(k3, (E,), dtype=jnp.float32)
    input_feature = jax.random.normal(k4, (OUT_CHANNELS, F), dtype=jnp.float32)
    # kaiming_uniform-style init for weights [in_channels, out_channels]
    bound = float(np.sqrt(6.0 / IN_CHANNELS))
    weights = jax.random.uniform(k5, (IN_CHANNELS, OUT_CHANNELS), minval=-bound, maxval=bound, dtype=jnp.float32)
    return {
        "adj_rows": adj_rows,
        "adj_cols": adj_cols,
        "adj_vals": adj_vals,
        "input_feature": input_feature,
        "weights": weights,
    }


def reference(adj_rows, adj_cols, adj_vals, input_feature, weights):
    # support = torch.mm(self.weights, input_feature)  -> [N, F]
    support = weights @ input_feature
    # output = torch.sparse.mm(adjacency, support)  (COO sparse [N, N] @ dense [N, F])
    gathered = support[adj_cols] * adj_vals[:, None]
    output = jnp.zeros((N, support.shape[1]), dtype=support.dtype).at[adj_rows].add(gathered)
    return output

if __name__ == "__main__":
    import jax
    _d = setup_inputs()
    print(jax.jit(kernel)(*tuple(_d.values())))

</pallas_src>

<mosaic_0001>
#map = affine_map<(d0, d1) -> (0, 0)>
#map1 = affine_map<(d0, d1) -> (0, 0, 0, 0)>
#map2 = affine_map<(d0, d1) -> (0, 0, 0)>
module attributes {stable_mosaic.version = 14 : i64} {
  func.func @_spmm(%arg0: i32, %arg1: i32, %arg2: memref<20000x128xf32, #tpu.memory_space<hbm>>, %arg3: memref<2x16x80x128xi32, #tpu.memory_space<hbm>>, %arg4: memref<16x80x128xi32, #tpu.memory_space<hbm>>, %arg5: memref<16x80x128xf32, #tpu.memory_space<hbm>>, %arg6: memref<640x128xf32, #tpu.memory_space<hbm>>, %arg7: memref<20480x128xf32, #tpu.memory_space<hbm>>, %arg8: memref<80x128xi32, #tpu.memory_space<vmem>>, %arg9: memref<80x128xi32, #tpu.memory_space<vmem>>, %arg10: memref<80x128xf32, #tpu.memory_space<vmem>>, %arg11: memref<128x128xf32, #tpu.memory_space<vmem>>, %arg12: memref<10240x128xf32, #tpu.memory_space<vmem_shared>>, %arg13: memref<!tpu.dma_semaphore, #tpu.memory_space<semaphore_mem>>) attributes {dimension_semantics = [#tpu.dimension_semantics<core_parallel>, #tpu.dimension_semantics<subcore_parallel>], iteration_bounds = array<i64: 2, 16>, scalar_prefetch = 0 : i64, scratch_operands = 6 : i64, tpu.core_type = #tpu.core_type<sc_vector_subcore>, window_params = [{transform_indices = #map}, {transform_indices = #map1}, {transform_indices = #map2}, {transform_indices = #map2}, {transform_indices = #map}, {transform_indices = #map}]} {
    "tpu.region"() ({
      %run_scoped3A = tpu.sem_alloc : memref<!tpu.dma_semaphore, #tpu.memory_space<semaphore_mem>>
      %dma_start3A = arith.constant 0 : i32
      %dma_start3A_13 = arith.constant 0 : i32
      %dma_start3A_14 = tpu.memref_slice %arg3[%arg0, %arg1, %dma_start3A, %dma_start3A_13] : memref<2x16x80x128xi32, #tpu.memory_space<hbm>> -> memref<1x1x80x128xi32, #tpu.memory_space<hbm>>
      %dma_start3A_15 = tpu.memref_squeeze %dma_start3A_14 : memref<1x1x80x128xi32, #tpu.memory_space<hbm>> -> memref<80x128xi32, #tpu.memory_space<hbm>>
      %dma_start3A_16 = arith.constant 0 : i32
      %dma_start3A_17 = arith.constant 0 : i32
      %dma_start3A_18 = tpu.memref_slice %arg3[%arg0, %arg1, %dma_start3A_16, %dma_start3A_17] : memref<2x16x80x128xi32, #tpu.memory_space<hbm>> -> memref<1x1x80x128xi32, #tpu.memory_space<hbm>>
      %dma_start3A_19 = tpu.memref_squeeze %dma_start3A_18 : memref<1x1x80x128xi32, #tpu.memory_space<hbm>> -> memref<80x128xi32, #tpu.memory_space<hbm>>
      tpu.enqueue_dma source(%dma_start3A_19 : memref<80x128xi32, #tpu.memory_space<hbm>>) target(%arg8 : memref<80x128xi32, #tpu.memory_space<vmem>>) target_semaphore(%run_scoped3A : memref<!tpu.dma_semaphore, #tpu.memory_space<semaphore_mem>>)
      %dma_wait3A = arith.constant 0 : i32
      %dma_wait3A_20 = arith.constant 0 : i32
      %dma_wait3A_21 = tpu.memref_slice %arg3[%arg0, %arg1, %dma_wait3A, %dma_wait3A_20] : memref<2x16x80x128xi32, #tpu.memory_space<hbm>> -> memref<1x1x80x128xi32, #tpu.memory_space<hbm>>
      %dma_wait3A_22 = tpu.memref_squeeze %dma_wait3A_21 : memref<1x1x80x128xi32, #tpu.memory_space<hbm>> -> memref<80x128xi32, #tpu.memory_space<hbm>>
      %dma_wait3A_23 = arith.constant 0 : i32
      %dma_wait3A_24 = arith.constant 0 : i32
      %dma_wait3A_25 = tpu.memref_slice %arg3[%arg0, %arg1, %dma_wait3A_23, %dma_wait3A_24] : memref<2x16x80x128xi32, #tpu.memory_space<hbm>> -> memref<1x1x80x128xi32, #tpu.memory_space<hbm>>
      %dma_wait3A_26 = tpu.memref_squeeze %dma_wait3A_25 : memref<1x1x80x128xi32, #tpu.memory_space<hbm>> -> memref<80x128xi32, #tpu.memory_space<hbm>>
      tpu.wait_dma2 semaphore(%run_scoped3A : memref<!tpu.dma_semaphore, #tpu.memory_space<semaphore_mem>>) src(%dma_wait3A_26 : memref<80x128xi32, #tpu.memory_space<hbm>>) dst(%arg8 : memref<80x128xi32, #tpu.memory_space<vmem>>)
      tpu.yield
    }) : () -> ()
    "tpu.region"() ({
      %run_scoped3A = tpu.sem_alloc : memref<!tpu.dma_semaphore, #tpu.memory_space<semaphore_mem>>
      %dma_start3A = arith.constant 0 : i32
      %dma_start3A_13 = arith.constant 0 : i32
      %dma_start3A_14 = tpu.memref_slice %arg4[%arg1, %dma_start3A, %dma_start3A_13] : memref<16x80x128xi32, #tpu.memory_space<hbm>> -> memref<1x80x128xi32, #tpu.memory_space<hbm>>
      %dma_start3A_15 = tpu.memref_squeeze %dma_start3A_14 : memref<1x80x128xi32, #tpu.memory_space<hbm>> -> memref<80x128xi32, #tpu.memory_space<hbm>>
      %dma_start3A_16 = arith.constant 0 : i32
      %dma_start3A_17 = arith.constant 0 : i32
      %dma_start3A_18 = tpu.memref_slice %arg4[%arg1, %dma_start3A_16, %dma_start3A_17] : memref<16x80x128xi32, #tpu.memory_space<hbm>> -> memref<1x80x128xi32, #tpu.memory_space<hbm>>
      %dma_start3A_19 = tpu.memref_squeeze %dma_start3A_18 : memref<1x80x128xi32, #tpu.memory_space<hbm>> -> memref<80x128xi32, #tpu.memory_space<hbm>>
      tpu.enqueue_dma source(%dma_start3A_19 : memref<80x128xi32, #tpu.memory_space<hbm>>) target(%arg9 : memref<80x128xi32, #tpu.memory_space<vmem>>) target_semaphore(%run_scoped3A : memref<!tpu.dma_semaphore, #tpu.memory_space<semaphore_mem>>)
      %dma_wait3A = arith.constant 0 : i32
      %dma_wait3A_20 = arith.constant 0 : i32
      %dma_wait3A_21 = tpu.memref_slice %arg4[%arg1, %dma_wait3A, %dma_wait3A_20] : memref<16x80x128xi32, #tpu.memory_space<hbm>> -> memref<1x80x128xi32, #tpu.memory_space<hbm>>
      %dma_wait3A_22 = tpu.memref_squeeze %dma_wait3A_21 : memref<1x80x128xi32, #tpu.memory_space<hbm>> -> memref<80x128xi32, #tpu.memory_space<hbm>>
      %dma_wait3A_23 = arith.constant 0 : i32
      %dma_wait3A_24 = arith.constant 0 : i32
      %dma_wait3A_25 = tpu.memref_slice %arg4[%arg1, %dma_wait3A_23, %dma_wait3A_24] : memref<16x80x128xi32, #tpu.memory_space<hbm>> -> memref<1x80x128xi32, #tpu.memory_space<hbm>>
      %dma_wait3A_26 = tpu.memref_squeeze %dma_wait3A_25 : memref<1x80x128xi32, #tpu.memory_space<hbm>> -> memref<80x128xi32, #tpu.memory_space<hbm>>
      tpu.wait_dma2 semaphore(%run_scoped3A : memref<!tpu.dma_semaphore, #tpu.memory_space<semaphore_mem>>) src(%dma_wait3A_26 : memref<80x128xi32, #tpu.memory_space<hbm>>) dst(%arg9 : memref<80x128xi32, #tpu.memory_space<vmem>>)
      tpu.yield
    }) : () -> ()
    "tpu.region"() ({
      %run_scoped3A = tpu.sem_alloc : memref<!tpu.dma_semaphore, #tpu.memory_space<semaphore_mem>>
      %dma_start3A = arith.constant 0 : i32
      %dma_start3A_13 = arith.constant 0 : i32
      %dma_start3A_14 = tpu.memref_slice %arg5[%arg1, %dma_start3A, %dma_start3A_13] : memref<16x80x128xf32, #tpu.memory_space<hbm>> -> memref<1x80x128xf32, #tpu.memory_space<hbm>>
      %dma_start3A_15 = tpu.memref_squeeze %dma_start3A_14 : memref<1x80x128xf32, #tpu.memory_space<hbm>> -> memref<80x128xf32, #tpu.memory_space<hbm>>
      %dma_start3A_16 = arith.constant 0 : i32
      %dma_start3A_17 = arith.constant 0 : i32
      %dma_start3A_18 = tpu.memref_slice %arg5[%arg1, %dma_start3A_16, %dma_start3A_17] : memref<16x80x128xf32, #tpu.memory_space<hbm>> -> memref<1x80x128xf32, #tpu.memory_space<hbm>>
      %dma_start3A_19 = tpu.memref_squeeze %dma_start3A_18 : memref<1x80x128xf32, #tpu.memory_space<hbm>> -> memref<80x128xf32, #tpu.memory_space<hbm>>
      tpu.enqueue_dma source(%dma_start3A_19 : memref<80x128xf32, #tpu.memory_space<hbm>>) target(%arg10 : memref<80x128xf32, #tpu.memory_space<vmem>>) target_semaphore(%run_scoped3A : memref<!tpu.dma_semaphore, #tpu.memory_space<semaphore_mem>>)
      %dma_wait3A = arith.constant 0 : i32
      %dma_wait3A_20 = arith.constant 0 : i32
      %dma_wait3A_21 = tpu.memref_slice %arg5[%arg1, %dma_wait3A, %dma_wait3A_20] : memref<16x80x128xf32, #tpu.memory_space<hbm>> -> memref<1x80x128xf32, #tpu.memory_space<hbm>>
      %dma_wait3A_22 = tpu.memref_squeeze %dma_wait3A_21 : memref<1x80x128xf32, #tpu.memory_space<hbm>> -> memref<80x128xf32, #tpu.memory_space<hbm>>
      %dma_wait3A_23 = arith.constant 0 : i32
      %dma_wait3A_24 = arith.constant 0 : i32
      %dma_wait3A_25 = tpu.memref_slice %arg5[%arg1, %dma_wait3A_23, %dma_wait3A_24] : memref<16x80x128xf32, #tpu.memory_space<hbm>> -> memref<1x80x128xf32, #tpu.memory_space<hbm>>
      %dma_wait3A_26 = tpu.memref_squeeze %dma_wait3A_25 : memref<1x80x128xf32, #tpu.memory_space<hbm>> -> memref<80x128xf32, #tpu.memory_space<hbm>>
      tpu.wait_dma2 semaphore(%run_scoped3A : memref<!tpu.dma_semaphore, #tpu.memory_space<semaphore_mem>>) src(%dma_wait3A_26 : memref<80x128xf32, #tpu.memory_space<hbm>>) dst(%arg10 : memref<80x128xf32, #tpu.memory_space<vmem>>)
      tpu.yield
    }) : () -> ()
    %mul3A = arith.constant 640 : i32
    %mul3A_0 = arith.muli %arg1, %mul3A : i32
    "tpu.region"() ({
      %run_scoped3A = tpu.sem_alloc : memref<!tpu.dma_semaphore, #tpu.memory_space<semaphore_mem>>
      %dma_start3A = arith.constant 0 : i32
      %dma_start3A_13 = tpu.memref_slice %arg12[%mul3A_0, %dma_start3A] : memref<10240x128xf32, #tpu.memory_space<vmem_shared>> -> memref<640x128xf32, #tpu.memory_space<vmem_shared>>
      tpu.enqueue_dma source(%arg6 : memref<640x128xf32, #tpu.memory_space<hbm>>) target(%dma_start3A_13 : memref<640x128xf32, #tpu.memory_space<vmem_shared>>) target_semaphore(%run_scoped3A : memref<!tpu.dma_semaphore, #tpu.memory_space<semaphore_mem>>)
      %dma_wait3A = arith.constant 0 : i32
      %dma_wait3A_14 = tpu.memref_slice %arg12[%mul3A_0, %dma_wait3A] : memref<10240x128xf32, #tpu.memory_space<vmem_shared>> -> memref<640x128xf32, #tpu.memory_space<vmem_shared>>
      tpu.wait_dma2 semaphore(%run_scoped3A : memref<!tpu.dma_semaphore, #tpu.memory_space<semaphore_mem>>) src(%arg6 : memref<640x128xf32, #tpu.memory_space<hbm>>) dst(%dma_wait3A_14 : memref<640x128xf32, #tpu.memory_space<vmem_shared>>)
      tpu.yield
    }) : () -> ()
    %barrier3A = arith.constant 0 : index
    tpu.barrier barrier_id(%barrier3A)
    %scan3A = arith.constant 0 : i32
    %scan3A_1 = arith.constant 0 : i32
    %scan3A_2 = arith.constant 80 : i32
    %scan3A_3 = arith.addi %scan3A_1, %scan3A_2 : i32
    %scan3A_4 = arith.constant 1 : i32
    scf.for %scan3A_13 = %scan3A_1 to %scan3A_3 step %scan3A_4  : i32 {
      %dma_start3A = arith.constant 0 : i32
      %dma_start3A_14 = tpu.memref_slice %arg8[%scan3A_13, %dma_start3A] : memref<80x128xi32, #tpu.memory_space<vmem>> -> memref<1x128xi32, #tpu.memory_space<vmem>>
      %dma_start3A_15 = tpu.memref_squeeze %dma_start3A_14 : memref<1x128xi32, #tpu.memory_space<vmem>> -> memref<128xi32, #tpu.memory_space<vmem>>
      %dma_start3A_16 = arith.constant 0 : i32
      %dma_start3A_17 = arith.constant 0 : i32
      %dma_start3A_18 = tpu.memref_slice %arg2[%dma_start3A_16, %dma_start3A_17] : memref<20000x128xf32, #tpu.memory_space<hbm>> -> memref<20000x128xf32, #tpu.memory_space<hbm>>
      tpu.enqueue_indirect_dma source(%dma_start3A_18 : memref<20000x128xf32, #tpu.memory_space<hbm>>) target(%arg11 : memref<128x128xf32, #tpu.memory_space<vmem>>) offsets(%dma_start3A_15 : memref<128xi32, #tpu.memory_space<vmem>>) semaphore(%arg13 : memref<!tpu.dma_semaphore, #tpu.memory_space<semaphore_mem>>)
      %dma_wait3A = arith.constant 0 : i32
      %dma_wait3A_19 = tpu.memref_slice %arg8[%scan3A_13, %dma_wait3A] : memref<80x128xi32, #tpu.memory_space<vmem>> -> memref<1x128xi32, #tpu.memory_space<vmem>>
      %dma_wait3A_20 = tpu.memref_squeeze %dma_wait3A_19 : memref<1x128xi32, #tpu.memory_space<vmem>> -> memref<128xi32, #tpu.memory_space<vmem>>
      %dma_wait3A_21 = arith.constant 0 : i32
      %dma_wait3A_22 = arith.constant 0 : i32
      %dma_wait3A_23 = tpu.memref_slice %arg2[%dma_wait3A_21, %dma_wait3A_22] : memref<20000x128xf32, #tpu.memory_space<hbm>> -> memref<20000x128xf32, #tpu.memory_space<hbm>>
      tpu.wait_indirect_dma semaphore(%arg13 : memref<!tpu.dma_semaphore, #tpu.memory_space<semaphore_mem>>) src(%dma_wait3A_23 : memref<20000x128xf32, #tpu.memory_space<hbm>>) dst(%arg11 : memref<128x128xf32, #tpu.memory_space<vmem>>)
      %scan3A_24 = arith.constant 0 : i32
      %scan3A_25 = arith.constant 0 : i32
      %scan3A_26 = arith.constant 8 : i32
      %scan3A_27 = arith.addi %scan3A_25, %scan3A_26 : i32
      %scan3A_28 = arith.constant 1 : i32
      scf.for %scan3A_30 = %scan3A_25 to %scan3A_27 step %scan3A_28  : i32 {
        %mul3A_31 = arith.constant 16 : i32
        %mul3A_32 = arith.muli %scan3A_30, %mul3A_31 : i32
        %get3A = arith.index_cast %scan3A_13 : i32 to index
        %get3A_33 = arith.index_cast %mul3A_32 : i32 to index
        %get3A_34 = tpu.vector_load %arg10[%get3A, %get3A_33] {strides = array<i32>} : memref<80x128xf32, #tpu.memory_space<vmem>>, vector<1x16xf32>,
        %get3A_35 = vector.shape_cast %get3A_34 : vector<1x16xf32> to vector<16xf32>
        %broadcast_in_dim3A = arith.constant 0 : i32
        %broadcast_in_dim3A_36 = vector.broadcast %broadcast_in_dim3A : i32 to vector<16xi32>
        %broadcast_in_dim3A_37 = vector.shape_cast %broadcast_in_dim3A_36 : vector<16xi32> to vector<16x1xi32>
        %gather3A = vector.shape_cast %broadcast_in_dim3A_37 : vector<16x1xi32> to vector<16xi32>
        %gather3A_38 = tpu.dynamic_gather %get3A_35[%gather3A] in [0] : vector<16xf32>, vector<16xi32> -> vector<16xf32>
        %mul3A_39 = arith.constant 16 : i32
        %mul3A_40 = arith.muli %scan3A_30, %mul3A_39 : i32
        %add3A_41 = arith.constant 0 : i32
        %add3A_42 = arith.addi %mul3A_40, %add3A_41 : i32
        %get3A_43 = arith.index_cast %add3A_42 : i32 to index
        %get3A_44 = arith.constant 0 : index
        %get3A_45 = tpu.vector_load %arg11[%get3A_43, %get3A_44] {strides = array<i32>} : memref<128x128xf32, #tpu.memory_space<vmem>>, vector<1x16xf32>,
        %get3A_46 = vector.shape_cast %get3A_45 : vector<1x16xf32> to vector<16xf32>
        %mul3A_47 = arith.mulf %get3A_46, %gather3A_38 : vector<16xf32>
        %swap3A = arith.index_cast %add3A_42 : i32 to index
        %swap3A_48 = arith.constant 0 : index
        %swap3A_49 = tpu.vector_load %arg11[%swap3A, %swap3A_48] {strides = array<i32>} : memref<128x128xf32, #tpu.memory_space<vmem>>, vector<1x16xf32>,
        %swap3A_50 = vector.shape_cast %swap3A_49 : vector<1x16xf32> to vector<16xf32>
        %swap3A_51 = vector.shape_cast %mul3A_47 : vector<16xf32> to vector<1x16xf32>
        tpu.vector_store %arg11[%swap3A, %swap3A_48], %swap3A_51 {strides = array<i32>} : memref<128x128xf32, #tpu.memory_space<vmem>>, vector<1x16xf32>,
        %get3A_52 = arith.index_cast %add3A_42 : i32 to index
        %get3A_53 = arith.constant 16 : index
        %get3A_54 = tpu.vector_load %arg11[%get3A_52, %get3A_53] {strides = array<i32>} : memref<128x128xf32, #tpu.memory_space<vmem>>, vector<1x16xf32>,
        %get3A_55 = vector.shape_cast %get3A_54 : vector<1x16xf32> to vector<16xf32>
        %mul3A_56 = arith.mulf %get3A_55, %gather3A_38 : vector<16xf32>
        %swap3A_57 = arith.index_cast %add3A_42 : i32 to index
        %swap3A_58 = arith.constant 16 : index
        %swap3A_59 = tpu.vector_load %arg11[%swap3A_57, %swap3A_58] {strides = array<i32>} : memref<128x128xf32, #tpu.memory_space<vmem>>, vector<1x16xf32>,
        %swap3A_60 = vector.shape_cast %swap3A_59 : vector<1x16xf32> to vector<16xf32>
        %swap3A_61 = vector.shape_cast %mul3A_56 : vector<16xf32> to vector<1x16xf32>
        tpu.vector_store %arg11[%swap3A_57, %swap3A_58], %swap3A_61 {strides = array<i32>} : memref<128x128xf32, #tpu.memory_space<vmem>>, vector<1x16xf32>,
        %get3A_62 = arith.index_cast %add3A_42 : i32 to index
        %get3A_63 = arith.constant 32 : index
        %get3A_64 = tpu.vector_load %arg11[%get3A_62, %get3A_63] {strides = array<i32>} : memref<128x128xf32, #tpu.memory_space<vmem>>, vector<1x16xf32>,
        %get3A_65 = vector.shape_cast %get3A_64 : vector<1x16xf32> to vector<16xf32>
        %mul3A_66 = arith.mulf %get3A_65, %gather3A_38 : vector<16xf32>
        %swap3A_67 = arith.index_cast %add3A_42 : i32 to index
        %swap3A_68 = arith.constant 32 : index
        %swap3A_69 = tpu.vector_load %arg11[%swap3A_67, %swap3A_68] {strides = array<i32>} : memref<128x128xf32, #tpu.memory_space<vmem>>, vector<1x16xf32>,
        %swap3A_70 = vector.shape_cast %swap3A_69 : vector<1x16xf32> to vector<16xf32>
        %swap3A_71 = vector.shape_cast %mul3A_66 : vector<16xf32> to vector<1x16xf32>
        tpu.vector_store %arg11[%swap3A_67, %swap3A_68], %swap3A_71 {strides = array<i32>} : memref<128x128xf32, #tpu.memory_space<vmem>>, vector<1x16xf32>,
        %get3A_72 = arith.index_cast %add3A_42 : i32 to index
        %get3A_73 = arith.constant 48 : index
        %get3A_74 = tpu.vector_load %arg11[%get3A_72, %get3A_73] {strides = array<i32>} : memref<128x128xf32, #tpu.memory_space<vmem>>, vector<1x16xf32>,
        %get3A_75 = vector.shape_cast %get3A_74 : vector<1x16xf32> to vector<16xf32>
        %mul3A_76 = arith.mulf %get3A_75, %gather3A_38 : vector<16xf32>
        %swap3A_77 = arith.index_cast %add3A_42 : i32 to index
        %swap3A_78 = arith.constant 48 : index
        %swap3A_79 = tpu.vector_load %arg11[%swap3A_77, %swap3A_78] {strides = array<i32>} : memref<128x128xf32, #tpu.memory_space<vmem>>, vector<1x16xf32>,
        %swap3A_80 = vector.shape_cast %swap3A_79 : vector<1x16xf32> to vector<16xf32>
        %swap3A_81 = vector.shape_cast %mul3A_76 : vector<16xf32> to vector<1x16xf32>
        tpu.vector_store %arg11[%swap3A_77, %swap3A_78], %swap3A_81 {strides = array<i32>} : memref<128x128xf32, #tpu.memory_space<vmem>>, vector<1x16xf32>,
        %get3A_82 = arith.index_cast %add3A_42 : i32 to index
        %get3A_83 = arith.constant 64 : index
        %get3A_84 = tpu.vector_load %arg11[%get3A_82, %get3A_83] {strides = array<i32>} : memref<128x128xf32, #tpu.memory_space<vmem>>, vector<1x16xf32>,
        %get3A_85 = vector.shape_cast %get3A_84 : vector<1x16xf32> to vector<16xf32>
        %mul3A_86 = arith.mulf %get3A_85, %gather3A_38 : vector<16xf32>
        %swap3A_87 = arith.index_cast %add3A_42 : i32 to index
        %swap3A_88 = arith.constant 64 : index
        %swap3A_89 = tpu.vector_load %arg11[%swap3A_87, %swap3A_88] {strides = array<i32>} : memref<128x128xf32, #tpu.memory_space<vmem>>, vector<1x16xf32>,
        %swap3A_90 = vector.shape_cast %swap3A_89 : vector<1x16xf32> to vector<16xf32>
        %swap3A_91 = vector.shape_cast %mul3A_86 : vector<16xf32> to vector<1x16xf32>
        tpu.vector_store %arg11[%swap3A_87, %swap3A_88], %swap3A_91 {strides = array<i32>} : memref<128x128xf32, #tpu.memory_space<vmem>>, vector<1x16xf32>,
        %get3A_92 = arith.index_cast %add3A_42 : i32 to index
        %get3A_93 = arith.constant 80 : index
        %get3A_94 = tpu.vector_load %arg11[%get3A_92, %get3A_93] {strides = array<i32>} : memref<128x128xf32, #tpu.memory_space<vmem>>, vector<1x16xf32>,
        %get3A_95 = vector.shape_cast %get3A_94 : vector<1x16xf32> to vector<16xf32>
        %mul3A_96 = arith.mulf %get3A_95, %gather3A_38 : vector<16xf32>
        %swap3A_97 = arith.index_cast %add3A_42 : i32 to index
        %swap3A_98 = arith.constant 80 : index
        %swap3A_99 = tpu.vector_load %arg11[%swap3A_97, %swap3A_98] {strides = array<i32>} : memref<128x128xf32, #tpu.memory_space<vmem>>, vector<1x16xf32>,
        %swap3A_100 = vector.shape_cast %swap3A_99 : vector<1x16xf32> to vector<16xf32>
        %swap3A_101 = vector.shape_cast %mul3A_96 : vector<16xf32> to vector<1x16xf32>
        tpu.vector_store %arg11[%swap3A_97, %swap3A_98], %swap3A_101 {strides = array<i32>} : memref<128x128xf32, #tpu.memory_space<vmem>>, vector<1x16xf32>,
        %get3A_102 = arith.index_cast %add3A_42 : i32 to index
        %get3A_103 = arith.constant 96 : index
        %get3A_104 = tpu.vector_load %arg11[%get3A_102, %get3A_103] {strides = array<i32>} : memref<128x128xf32, #tpu.memory_space<vmem>>, vector<1x16xf32>,
        %get3A_105 = vector.shape_cast %get3A_104 : vector<1x16xf32> to vector<16xf32>
        %mul3A_106 = arith.mulf %get3A_105, %gather3A_38 : vector<16xf32>
        %swap3A_107 = arith.index_cast %add3A_42 : i32 to index
        %swap3A_108 = arith.constant 96 : index
        %swap3A_109 = tpu.vector_load %arg11[%swap3A_107, %swap3A_108] {strides = array<i32>} : memref<128x128xf32, #tpu.memory_space<vmem>>, vector<1x16xf32>,
        %swap3A_110 = vector.shape_cast %swap3A_109 : vector<1x16xf32> to vector<16xf32>
        %swap3A_111 = vector.shape_cast %mul3A_106 : vector<16xf32> to vector<1x16xf32>
        tpu.vector_store %arg11[%swap3A_107, %swap3A_108], %swap3A_111 {strides = array<i32>} : memref<128x128xf32, #tpu.memory_space<vmem>>, vector<1x16xf32>,
        %get3A_112 = arith.index_cast %add3A_42 : i32 to index
        %get3A_113 = arith.constant 112 : index
        %get3A_114 = tpu.vector_load %arg11[%get3A_112, %get3A_113] {strides = array<i32>} : memref<128x128xf32, #tpu.memory_space<vmem>>, vector<1x16xf32>,
        %get3A_115 = vector.shape_cast %get3A_114 : vector<1x16xf32> to vector<16xf32>
        %mul3A_116 = arith.mulf %get3A_115, %gather3A_38 : vector<16xf32>
        %swap3A_117 = arith.index_cast %add3A_42 : i32 to index
        %swap3A_118 = arith.constant 112 : index
        %swap3A_119 = tpu.vector_load %arg11[%swap3A_117, %swap3A_118] {strides = array<i32>} : memref<128x128xf32, #tpu.memory_space<vmem>>, vector<1x16xf32>,
        %swap3A_120 = vector.shape_cast %swap3A_119 : vector<1x16xf32> to vector<16xf32>
        %swap3A_121 = vector.shape_cast %mul3A_116 : vector<16xf32> to vector<1x16xf32>
        tpu.vector_store %arg11[%swap3A_117, %swap3A_118], %swap3A_121 {strides = array<i32>} : memref<128x128xf32, #tpu.memory_space<vmem>>, vector<1x16xf32>,
        %broadcast_in_dim3A_122 = arith.constant 1 : i32
        %broadcast_in_dim3A_123 = vector.broadcast %broadcast_in_dim3A_122 : i32 to vector<16xi32>
        %broadcast_in_dim3A_124 = vector.shape_cast %broadcast_in_dim3A_123 : vector<16xi32> to vector<16x1xi32>
        %gather3A_125 = vector.shape_cast %broadcast_in_dim3A_124 : vector<16x1xi32> to vector<16xi32>
        %gather3A_126 = tpu.dynamic_gather %get3A_35[%gather3A_125] in [0] : vector<16xf32>, vector<16xi32> -> vector<16xf32>
        %mul3A_127 = arith.constant 16 : i32
        %mul3A_128 = arith.muli %scan3A_30, %mul3A_127 : i32
        %add3A_129 = arith.constant 1 : i32
        %add3A_130 = arith.addi %mul3A_128, %add3A_129 : i32
        %get3A_131 = arith.index_cast %add3A_130 : i32 to index
        %get3A_132 = arith.constant 0 : index
        %get3A_133 = tpu.vector_load %arg11[%get3A_131, %get3A_132] {strides = array<i32>} : memref<128x128xf32, #tpu.memory_space<vmem>>, vector<1x16xf32>,
        %get3A_134 = vector.shape_cast %get3A_133 : vector<1x16xf32> to vector<16xf32>
        %mul3A_135 = arith.mulf %get3A_134, %gather3A_126 : vector<16xf32>
        %swap3A_136 = arith.index_cast %add3A_130 : i32 to index
        %swap3A_137 = arith.constant 0 : index
        %swap3A_138 = tpu.vector_load %arg11[%swap3A_136, %swap3A_137] {strides = array<i32>} : memref<128x128xf32, #tpu.memory_space<vmem>>, vector<1x16xf32>,
        %swap3A_139 = vector.shape_cast %swap3A_138 : vector<1x16xf32> to vector<16xf32>
        %swap3A_140 = vector.shape_cast %mul3A_135 : vector<16xf32> to vector<1x16xf32>
        tpu.vector_store %arg11[%swap3A_136, %swap3A_137], %swap3A_140 {strides = array<i32>} : memref<128x128xf32, #tpu.memory_space<vmem>>, vector<1x16xf32>,
        %get3A_141 = arith.index_cast %add3A_130 : i32 to index
        %get3A_142 = arith.constant 16 : index
        %get3A_143 = tpu.vector_load %arg11[%get3A_141, %get3A_142] {strides = array<i32>} : memref<128x128xf32, #tpu.memory_space<vmem>>, vector<1x16xf32>,
        %get3A_144 = vector.shape_cast %get3A_143 : vector<1x16xf32> to vector<16xf32>
        %mul3A_145 = arith.mulf %get3A_144, %gather3A_126 : vector<16xf32>
        %swap3A_146 = arith.index_cast %add3A_130 : i32 to index
        %swap3A_147 = arith.constant 16 : index
        %swap3A_148 = tpu.vector_load %arg11[%swap3A_146, %swap3A_147] {strides = array<i32>} : memref<128x128xf32, #tpu.memory_space<vmem>>, vector<1x16xf32>,
        %swap3A_149 = vector.shape_cast %swap3A_148 : vector<1x16xf32> to vector<16xf32>
        %swap3A_150 = vector.shape_cast %mul3A_145 : vector<16xf32> to vector<1x16xf32>
        tpu.vector_store %arg11[%swap3A_146, %swap3A_147], %swap3A_150 {strides = array<i32>} : memref<128x128xf32, #tpu.memory_space<vmem>>, vector<1x16xf32>,
        %get3A_151 = arith.index_cast %add3A_130 : i32 to index
        %get3A_152 = arith.constant 32 : index
        %get3A_153 = tpu.vector_load %arg11[%get3A_151, %get3A_152] {strides = array<i32>} : memref<128x128xf32, #tpu.memory_space<vmem>>, vector<1x16xf32>,
        %get3A_154 = vector.shape_cast %get3A_153 : vector<1x16xf32> to vector<16xf32>
        %mul3A_155 = arith.mulf %get3A_154, %gather3A_126 : vector<16xf32>
        %swap3A_156 = arith.index_cast %add3A_130 : i32 to index
        %swap3A_157 = arith.constant 32 : index
        %swap3A_158 = tpu.vector_load %arg11[%swap3A_156, %swap3A_157] {strides = array<i32>} : memref<128x128xf32, #tpu.memory_space<vmem>>, vector<1x16xf32>,
        %swap3A_159 = vector.shape_cast %swap3A_158 : vector<1x16xf32> to vector<16xf32>
        %swap3A_160 = vector.shape_cast %mul3A_155 : vector<16xf32> to vector<1x16xf32>
        tpu.vector_store %arg11[%swap3A_156, %swap3A_157], %swap3A_160 {strides = array<i32>} : memref<128x128xf32, #tpu.memory_space<vmem>>, vector<1x16xf32>,
        %get3A_161 = arith.index_cast %add3A_130 : i32 to index
        %get3A_162 = arith.constant 48 : index
        %get3A_163 = tpu.vector_load %arg11[%get3A_161, %get3A_162] {strides = array<i32>} : memref<128x128xf32, #tpu.memory_space<vmem>>, vector<1x16xf32>,
        %get3A_164 = vector.shape_cast %get3A_163 : vector<1x16xf32> to vector<16xf32>
        %mul3A_165 = arith.mulf %get3A_164, %gather3A_126 : vector<16xf32>
        %swap3A_166 = arith.index_cast %add3A_130 : i32 to index
        %swap3A_167 = arith.constant 48 : index
        %swap3A_168 = tpu.vector_load %arg11[%swap3A_166, %swap3A_167] {strides = array<i32>} : memref<128x128xf32, #tpu.memory_space<vmem>>, vector<1x16xf32>,
        %swap3A_169 = vector.shape_cast %swap3A_168 : vector<1x16xf32> to vector<16xf32>
        %swap3A_170 = vector.shape_cast %mul3A_165 : vector<16xf32> to vector<1x16xf32>
        tpu.vector_store %arg11[%swap3A_166, %swap3A_167], %swap3A_170 {strides = array<i32>} : memref<128x128xf32, #tpu.memory_space<vmem>>, vector<1x16xf32>,
        %get3A_171 = arith.index_cast %add3A_130 : i32 to index
        %get3A_172 = arith.constant 64 : index
        %get3A_173 = tpu.vector_load %arg11[%get3A_171, %get3A_172] {strides = array<i32>} : memref<128x128xf32, #tpu.memory_space<vmem>>, vector<1x16xf32>,
        %get3A_174 = vector.shape_cast %get3A_173 : vector<1x16xf32> to vector<16xf32>
        %mul3A_175 = arith.mulf %get3A_174, %gather3A_126 : vector<16xf32>
        %swap3A_176 = arith.index_cast %add3A_130 : i32 to index
        %swap3A_177 = arith.constant 64 : index
        %swap3A_178 = tpu.vector_load %arg11[%swap3A_176, %swap3A_177] {strides = array<i32>} : memref<128x128xf32, #tpu.memory_space<vmem>>, vector<1x16xf32>,
        %swap3A_179 = vector.shape_cast %swap3A_178 : vector<1x16xf32> to vector<16xf32>
        %swap3A_180 = vector.shape_cast %mul3A_175 : vector<16xf32> to vector<1x16xf32>
        tpu.vector_store %arg11[%swap3A_176, %swap3A_177], %swap3A_180 {strides = array<i32>} : memref<128x128xf32, #tpu.memory_space<vmem>>, vector<1x16xf32>,
        %get3A_181 = arith.index_cast %add3A_130 : i32 to index
        %get3A_182 = arith.constant 80 : index
        %get3A_183 = tpu.vector_load %arg11[%get3A_181, %get3A_182] {strides = array<i32>} : memref<128x128xf32, #tpu.memory_space<vmem>>, vector<1x16xf32>,
        %get3A_184 = vector.shape_cast %get3A_183 : vector<1x16xf32> to vector<16xf32>
        %mul3A_185 = arith.mulf %get3A_184, %gather3A_126 : vector<16xf32>
        %swap3A_186 = arith.index_cast %add3A_130 : i32 to index
        %swap3A_187 = arith.constant 80 : index
        %swap3A_188 = tpu.vector_load %arg11[%swap3A_186, %swap3A_187] {strides = array<i32>} : memref<128x128xf32, #tpu.memory_space<vmem>>, vector<1x16xf32>,
        %swap3A_189 = vector.shape_cast %swap3A_188 : vector<1x16xf32> to vector<16xf32>
        %swap3A_190 = vector.shape_cast %mul3A_185 : vector<16xf32> to vector<1x16xf32>
        tpu.vector_store %arg11[%swap3A_186, %swap3A_187], %swap3A_190 {strides = array<i32>} : memref<128x128xf32, #tpu.memory_space<vmem>>, vector<1x16xf32>,
        %get3A_191 = arith.index_cast %add3A_130 : i32 to index
        %get3A_192 = arith.constant 96 : index
        %get3A_193 = tpu.vector_load %arg11[%get3A_191, %get3A_192] {strides = array<i32>} : memref<128x128xf32, #tpu.memory_space<vmem>>, vector<1x16xf32>,
        %get3A_194 = vector.shape_cast %get3A_193 : vector<1x16xf32> to vector<16xf32>
        %mul3A_195 = arith.mulf %get3A_194, %gather3A_126 : vector<16xf32>
        %swap3A_196 = arith.index_cast %add3A_130 : i32 to index
        %swap3A_197 = arith.constant 96 : index
        %swap3A_198 = tpu.vector_load %arg11[%swap3A_196, %swap3A_197] {strides = array<i32>} : memref<128x128xf32, #tpu.memory_space<vmem>>, vector<1x16xf32>,
        %swap3A_199 = vector.shape_cast %swap3A_198 : vector<1x16xf32> to vector<16xf32>
        %swap3A_200 = vector.shape_cast %mul3A_195 : vector<16xf32> to vector<1x16xf32>
        tpu.vector_store %arg11[%swap3A_196, %swap3A_197], %swap3A_200 {strides = array<i32>} : memref<128x128xf32, #tpu.memory_space<vmem>>, vector<1x16xf32>,
        %get3A_201 = arith.index_cast %add3A_130 : i32 to index
        %get3A_202 = arith.constant 112 : index
        %get3A_203 = tpu.vector_load %arg11[%get3A_201, %get3A_202] {strides = array<i32>} : memref<128x128xf32, #tpu.memory_space<vmem>>, vector<1x16xf32>,
        %get3A_204 = vector.shape_cast %get3A_203 : vector<1x16xf32> to vector<16xf32>
        %mul3A_205 = arith.mulf %get3A_204, %gather3A_126 : vector<16xf32>
        %swap3A_206 = arith.index_cast %add3A_130 : i32 to index
        %swap3A_207 = arith.constant 112 : index
        %swap3A_208 = tpu.vector_load %arg11[%swap3A_206, %swap3A_207] {strides = array<i32>} : memref<128x128xf32, #tpu.memory_space<vmem>>, vector<1x16xf32>,
        %swap3A_209 = vector.shape_cast %swap3A_208 : vector<1x16xf32> to vector<16xf32>
        %swap3A_210 = vector.shape_cast %mul3A_205 : vector<16xf32> to vector<1x16xf32>
        tpu.vector_store %arg11[%swap3A_206, %swap3A_207], %swap3A_210 {strides = array<i32>} : memref<128x128xf32, #tpu.memory_space<vmem>>, vector<1x16xf32>,
        %broadcast_in_dim3A_211 = arith.constant 2 : i32
        %broadcast_in_dim3A_212 = vector.broadcast %broadcast_in_dim3A_211 : i32 to vector<16xi32>
        %broadcast_in_dim3A_213 = vector.shape_cast %broadcast_in_dim3A_212 : vector<16xi32> to vector<16x1xi32>
        %gather3A_214 = vector.shape_cast %broadcast_in_dim3A_213 : vector<16x1xi32> to vector<16xi32>
        %gather3A_215 = tpu.dynamic_gather %get3A_35[%gather3A_214] in [0] : vector<16xf32>, vector<16xi32> -> vector<16xf32>
        %mul3A_216 = arith.constant 16 : i32
        %mul3A_217 = arith.muli %scan3A_30, %mul3A_216 : i32
        %add3A_218 = arith.constant 2 : i32
        %add3A_219 = arith.addi %mul3A_217, %add3A_218 : i32
        %get3A_220 = arith.index_cast %add3A_219 : i32 to index
        %get3A_221 = arith.constant 0 : index
        %get3A_222 = tpu.vector_load %arg11[%get3A_220, %get3A_221] {strides = array<i32>} : memref<128x128xf32, #tpu.memory_space<vmem>>, vector<1x16xf32>,
        %get3A_223 = vector.shape_cast %get3A_222 : vector<1x16xf32> to vector<16xf32>
        %mul3A_224 = arith.mulf %get3A_223, %gather3A_215 : vector<16xf32>
        %swap3A_225 = arith.index_cast %add3A_219 : i32 to index
        %swap3A_226 = arith.constant 0 : index
        %swap3A_227 = tpu.vector_load %arg11[%swap3A_225, %swap3A_226] {strides = array<i32>} : memref<128x128xf32, #tpu.memory_space<vmem>>, vector<1x16xf32>,
        %swap3A_228 = vector.shape_cast %swap3A_227 : vector<1x16xf32> to vector<16xf32>
        %swap3A_229 = vector.shape_cast %mul3A_224 : vector<16xf32> to vector<1x16xf32>
        tpu.vector_store %arg11[%swap3A_225, %swap3A_226], %swap3A_229 {strides = array<i32>} : memref<128x128xf32, #tpu.memory_space<vmem>>, vector<1x16xf32>,
        %get3A_230 = arith.index_cast %add3A_219 : i32 to index
        %get3A_231 = arith.constant 16 : index
        %get3A_232 = tpu.vector_load %arg11[%get3A_230, %get3A_231] {strides = array<i32>} : memref<128x128xf32, #tpu.memory_space<vmem>>, vector<1x16xf32>,
        %get3A_233 = vector.shape_cast %get3A_232 : vector<1x16xf32> to vector<16xf32>
        %mul3A_234 = arith.mulf %get3A_233, %gather3A_215 : vector<16xf32>
        %swap3A_235 = arith.index_cast %add3A_219 : i32 to index
        %swap3A_236 = arith.constant 16 : index
        %swap3A_237 = tpu.vector_load %arg11[%swap3A_235, %swap3A_236] {strides = array<i32>} : memref<128x128xf32, #tpu.memory_space<vmem>>, vector<1x16xf32>,
        %swap3A_238 = vector.shape_cast %swap3A_237 : vector<1x16xf32> to vector<16xf32>
        %swap3A_239 = vector.shape_cast %mul3A_234 : vector<16xf32> to vector<1x16xf32>
        tpu.vector_store %arg11[%swap3A_235, %swap3A_236], %swap3A_239 {strides = array<i32>} : memref<128x128xf32, #tpu.memory_space<vmem>>, vector<1x16xf32>,
        %get3A_240 = arith.index_cast %add3A_219 : i32 to index
        %get3A_241 = arith.constant 32 : index
        %get3A_242 = tpu.vector_load %arg11[%get3A_240, %get3A_241] {strides = array<i32>} : memref<128x128xf32, #tpu.memory_space<vmem>>, vector<1x16xf32>,
        %get3A_243 = vector.shape_cast %get3A_242 : vector<1x16xf32> to vector<16xf32>
        %mul3A_244 = arith.mulf %get3A_243, %gather3A_215 : vector<16xf32>
        %swap3A_245 = arith.index_cast %add3A_219 : i32 to index
        %swap3A_246 = arith.constant 32 : index
        %swap3A_247 = tpu.vector_load %arg11[%swap3A_245, %swap3A_246] {strides = array<i32>} : memref<128x128xf32, #tpu.memory_space<vmem>>, vector<1x16xf32>,
        %swap3A_248 = vector.shape_cast %swap3A_247 : vector<1x16xf32> to vector<16xf32>
        %swap3A_249 = vector.shape_cast %mul3A_244 : vector<16xf32> to vector<1x16xf32>
        tpu.vector_store %arg11[%swap3A_245, %swap3A_246], %swap3A_249 {strides = array<i32>} : memref<128x128xf32, #tpu.memory_space<vmem>>, vector<1x16xf32>,
        %get3A_250 = arith.index_cast %add3A_219 : i32 to index
        %get3A_251 = arith.constant 48 : index
        %get3A_252 = tpu.vector_load %arg11[%get3A_250, %get3A_251] {strides = array<i32>} : memref<128x128xf32, #tpu.memory_space<vmem>>, vector<1x16xf32>,
        %get3A_253 = vector.shape_cast %get3A_252 : vector<1x16xf32> to vector<16xf32>
        %mul3A_254 = arith.mulf %get3A_253, %gather3A_215 : vector<16xf32>
        %swap3A_255 = arith.index_cast %add3A_219 : i32 to index
        %swap3A_256 = arith.constant 48 : index
        %swap3A_257 = tpu.vector_load %arg11[%swap3A_255, %swap3A_256] {strides = array<i32>} : memref<128x128xf32, #tpu.memory_space<vmem>>, vector<1x16xf32>,
        %swap3A_258 = vector.shape_cast %swap3A_257 : vector<1x16xf32> to vector<16xf32>
        %swap3A_259 = vector.shape_cast %mul3A_254 : vector<16xf32> to vector<1x16xf32>
        tpu.vector_store %arg11[%swap3A_255, %swap3A_256], %swap3A_259 {strides = array<i32>} : memref<128x128xf32, #tpu.memory_space<vmem>>, vector<1x16xf32>,
        %get3A_260 = arith.index_cast %add3A_219 : i32 to index
        %get3A_261 = arith.constant 64 : index
        %get3A_262 = tpu.vector_load %arg11[%get3A_260, %get3A_261] {strides = array<i32>} : memref<128x128xf32, #tpu.memory_space<vmem>>, vector<1x16xf32>,
        %get3A_263 = vector.shape_cast %get3A_262 : vector<1x16xf32> to vector<16xf32>
        %mul3A_264 = arith.mulf %get3A_263, %gather3A_215 : vector<16xf32>
        %swap3A_265 = arith.index_cast %add3A_219 : i32 to index
        %swap3A_266 = arith.constant 64 : index
        %swap3A_267 = tpu.vector_load %arg11[%swap3A_265, %swap3A_266] {strides = array<i32>} : memref<128x128xf32, #tpu.memory_space<vmem>>, vector<1x16xf32>,
        %swap3A_268 = vector.shape_cast %swap3A_267 : vector<1x16xf32> to vector<16xf32>
        %swap3A_269 = vector.shape_cast %mul3A_264 : vector<16xf32> to vector<1x16xf32>
        tpu.vector_store %arg11[%swap3A_265, %swap3A_266], %swap3A_269 {strides = array<i32>} : memref<128x128xf32, #tpu.memory_space<vmem>>, vector<1x16xf32>,
        %get3A_270 = arith.index_cast %add3A_219 : i32 to index
        %get3A_271 = arith.constant 80 : index
        %get3A_272 = tpu.vector_load %arg11[%get3A_270, %get3A_271] {strides = array<i32>} : memref<128x128xf32, #tpu.memory_space<vmem>>, vector<1x16xf32>,
        %get3A_273 = vector.shape_cast %get3A_272 : vector<1x16xf32> to vector<16xf32>
        %mul3A_274 = arith.mulf %get3A_273, %gather3A_215 : vector<16xf32>
        %swap3A_275 = arith.index_cast %add3A_219 : i32 to index
        %swap3A_276 = arith.constant 80 : index
        %swap3A_277 = tpu.vector_load %arg11[%swap3A_275, %swap3A_276] {strides = array<i32>} : memref<128x128xf32, #tpu.memory_space<vmem>>, vector<1x16xf32>,
        %swap3A_278 = vector.shape_cast %swap3A_277 : vector<1x16xf32> to vector<16xf32>
        %swap3A_279 = vector.shape_cast %mul3A_274 : vector<16xf32> to vector<1x16xf32>
        tpu.vector_store %arg11[%swap3A_275, %swap3A_276], %swap3A_279 {strides = array<i32>} : memref<128x128xf32, #tpu.memory_space<vmem>>, vector<1x16xf32>,
        %get3A_280 = arith.index_cast %add3A_219 : i32 to index
        %get3A_281 = arith.constant 96 : index
        %get3A_282 = tpu.vector_load %arg11[%get3A_280, %get3A_281] {strides = array<i32>} : memref<128x128xf32, #tpu.memory_space<vmem>>, vector<1x16xf32>,
        %get3A_283 = vector.shape_cast %get3A_282 : vector<1x16xf32> to vector<16xf32>
        %mul3A_284 = arith.mulf %get3A_283, %gather3A_215 : vector<16xf32>
        %swap3A_285 = arith.index_cast %add3A_219 : i32 to index
        %swap3A_286 = arith.constant 96 : index
        %swap3A_287 = tpu.vector_load %arg11[%swap3A_285, %swap3A_286] {strides = array<i32>} : memref<128x128xf32, #tpu.memory_space<vmem>>, vector<1x16xf32>,
        %swap3A_288 = vector.shape_cast %swap3A_287 : vector<1x16xf32> to vector<16xf32>
        %swap3A_289 = vector.shape_cast %mul3A_284 : vector<16xf32> to vector<1x16xf32>
        tpu.vector_store %arg11[%swap3A_285, %swap3A_286], %swap3A_289 {strides = array<i32>} : memref<128x128xf32, #tpu.memory_space<vmem>>, vector<1x16xf32>,
        %get3A_290 = arith.index_cast %add3A_219 : i32 to index
        %get3A_291 = arith.constant 112 : index
        %get3A_292 = tpu.vector_load %arg11[%get3A_290, %get3A_291] {strides = array<i32>} : memref<128x128xf32, #tpu.memory_space<vmem>>, vector<1x16xf32>,
        %get3A_293 = vector.shape_cast %get3A_292 : vector<1x16xf32> to vector<16xf32>
        %mul3A_294 = arith.mulf %get3A_293, %gather3A_215 : vector<16xf32>
        %swap3A_295 = arith.index_cast %add3A_219 : i32 to index
        %swap3A_296 = arith.constant 112 : index
        %swap3A_297 = tpu.vector_load %arg11[%swap3A_295, %swap3A_296] {strides = array<i32>} : memref<128x128xf32, #tpu.memory_space<vmem>>, vector<1x16xf32>,
        %swap3A_298 = vector.shape_cast %swap3A_297 : vector<1x16xf32> to vector<16xf32>
        %swap3A_299 = vector.shape_cast %mul3A_294 : vector<16xf32> to vector<1x16xf32>
        tpu.vector_store %arg11[%swap3A_295, %swap3A_296], %swap3A_299 {strides = array<i32>} : memref<128x128xf32, #tpu.memory_space<vmem>>, vector<1x16xf32>,
        %broadcast_in_dim3A_300 = arith.constant 3 : i32
        %broadcast_in_dim3A_301 = vector.broadcast %broadcast_in_dim3A_300 : i32 to vector<16xi32>
        %broadcast_in_dim3A_302 = vector.shape_cast %broadcast_in_dim3A_301 : vector<16xi32> to vector<16x1xi32>
        %gather3A_303 = vector.shape_cast %broadcast_in_dim3A_302 : vector<16x1xi32> to vector<16xi32>
        %gather3A_304 = tpu.dynamic_gather %get3A_35[%gather3A_303] in [0] : vector<16xf32>, vector<16xi32> -> vector<16xf32>
        %mul3A_305 = arith.constant 16 : i32
        %mul3A_306 = arith.muli %scan3A_30, %mul3A_305 : i32
        %add3A_307 = arith.constant 3 : i32
        %add3A_308 = arith.addi %mul3A_306, %add3A_307 : i32
        %get3A_309 = arith.index_cast %add3A_308 : i32 to index
        %get3A_310 = arith.constant 0 : index
        %get3A_311 = tpu.vector_load %arg11[%get3A_309, %get3A_310] {strides = array<i32>} : memref<128x128xf32, #tpu.memory_space<vmem>>, vector<1x16xf32>,
        %get3A_312 = vector.shape_cast %get3A_311 : vector<1x16xf32> to vector<16xf32>
        %mul3A_313 = arith.mulf %get3A_312, %gather3A_304 : vector<16xf32>
        %swap3A_314 = arith.index_cast %add3A_308 : i32 to index
        %swap3A_315 = arith.constant 0 : index
        %swap3A_316 = tpu.vector_load %arg11[%swap3A_314, %swap3A_315] {strides = array<i32>} : memref<128x128xf32, #tpu.memory_space<vmem>>, vector<1x16xf32>,
        %swap3A_317 = vector.shape_cast %swap3A_316 : vector<1x16xf32> to vector<16xf32>
        %swap3A_318 = vector.shape_cast %mul3A_313 : vector<16xf32> to vector<1x16xf32>
        tpu.vector_store %arg11[%swap3A_314, %swap3A_315], %swap3A_318 {strides = array<i32>} : memref<128x128xf32, #tpu.memory_space<vmem>>, vector<1x16xf32>,
        %get3A_319 = arith.index_cast %add3A_308 : i32 to index
        %get3A_320 = arith.constant 16 : index
        %get3A_321 = tpu.vector_load %arg11[%get3A_319, %get3A_320] {strides = array<i32>} : memref<128x128xf32, #tpu.memory_space<vmem>>, vector<1x16xf32>,
        %get3A_322 = vector.shape_cast %get3A_321 : vector<1x16xf32> to vector<16xf32>
        %mul3A_323 = arith.mulf %get3A_322, %gather3A_304 : vector<16xf32>
        %swap3A_324 = arith.index_cast %add3A_308 : i32 to index
        %swap3A_325 = arith.constant 16 : index
        %swap3A_326 = tpu.vector_load %arg11[%swap3A_324, %swap3A_325] {strides = array<i32>} : memref<128x128xf32, #tpu.memory_space<vmem>>, vector<1x16xf32>,
        %swap3A_327 = vector.shape_cast %swap3A_326 : vector<1x16xf32> to vector<16xf32>
        %swap3A_328 = vector.shape_cast %mul3A_323 : vector<16xf32> to vector<1x16xf32>
        tpu.vector_store %arg11[%swap3A_324, %swap3A_325], %swap3A_328 {strides = array<i32>} : memref<128x128xf32, #tpu.memory_space<vmem>>, vector<1x16xf32>,
        %get3A_329 = arith.index_cast %add3A_308 : i32 to index
        %get3A_330 = arith.constant 32 : index
        %get3A_331 = tpu.vector_load %arg11[%get3A_329, %get3A_330] {strides = array<i32>} : memref<128x128xf32, #tpu.memory_space<vmem>>, vector<1x16xf32>,
        %get3A_332 = vector.shape_cast %get3A_331 : vector<1x16xf32> to vector<16xf32>
        %mul3A_333 = arith.mulf %get3A_332, %gather3A_304 : vector<16xf32>
        %swap3A_334 = arith.index_cast %add3A_308 : i32 to index
        %swap3A_335 = arith.constant 32 : index
        %swap3A_336 = tpu.vector_load %arg11[%swap3A_334, %swap3A_335] {strides = array<i32>} : memref<128x128xf32, #tpu.memory_space<vmem>>, vector<1x16xf32>,
        %swap3A_337 = vector.shape_cast %swap3A_336 : vector<1x16xf32> to vector<16xf32>
        %swap3A_338 = vector.shape_cast %mul3A_333 : vector<16xf32> to vector<1x16xf32>
        tpu.vector_store %arg11[%swap3A_334, %swap3A_335], %swap3A_338 {strides = array<i32>} : memref<128x128xf32, #tpu.memory_space<vmem>>, vector<1x16xf32>,
        %get3A_339 = arith.index_cast %add3A_308 : i32 to index
        %get3A_340 = arith.constant 48 : index
        %get3A_341 = tpu.vector_load %arg11[%get3A_339, %get3A_340] {strides = array<i32>} : memref<128x128xf32, #tpu.memory_space<vmem>>, vector<1x16xf32>,
        %get3A_342 = vector.shape_cast %get3A_341 : vector<1x16xf32> to vector<16xf32>
        %mul3A_343 = arith.mulf %get3A_342, %gather3A_304 : vector<16xf32>
        %swap3A_344 = arith.index_cast %add3A_308 : i32 to index
        %swap3A_345 = arith.constant 48 : index
        %swap3A_346 = tpu.vector_load %arg11[%swap3A_344, %swap3A_345] {strides = array<i32>} : memref<128x128xf32, #tpu.memory_space<vmem>>, vector<1x16xf32>,
        %swap3A_347 = vector.shape_cast %swap3A_346 : vector<1x16xf32> to vector<16xf32>
        %swap3A_348 = vector.shape_cast %mul3A_343 : vector<16xf32> to vector<1x16xf32>
        tpu.vector_store %arg11[%swap3A_344, %swap3A_345], %swap3A_348 {strides = array<i32>} : memref<128x128xf32, #tpu.memory_space<vmem>>, vector<1x16xf32>,
        %get3A_349 = arith.index_cast %add3A_308 : i32 to index
        %get3A_350 = arith.constant 64 : index
        %get3A_351 = tpu.vector_load %arg11[%get3A_349, %get3A_350] {strides = array<i32>} : memref<128x128xf32, #tpu.memory_space<vmem>>, vector<1x16xf32>,
        %get3A_352 = vector.shape_cast %get3A_351 : vector<1x16xf32> to vector<16xf32>
        %mul3A_353 = arith.mulf %get3A_352, %gather3A_304 : vector<16xf32>
        %swap3A_354 = arith.index_cast %add3A_308 : i32 to index
        %swap3A_355 = arith.constant 64 : index
        %swap3A_356 = tpu.vector_load %arg11[%swap3A_354, %swap3A_355] {strides = array<i32>} : memref<128x128xf32, #tpu.memory_space<vmem>>, vector<1x16xf32>,
        %swap3A_357 = vector.shape_cast %swap3A_356 : vector<1x16xf32> to vector<16xf32>
        %swap3A_358 = vector.shape_cast %mul3A_353 : vector<16xf32> to vector<1x16xf32>
        tpu.vector_store %arg11[%swap3A_354, %swap3A_355], %swap3A_358 {strides = array<i32>} : memref<128x128xf32, #tpu.memory_space<vmem>>, vector<1x16xf32>,
        %get3A_359 = arith.index_cast %add3A_308 : i32 to index
        %get3A_360 = arith.constant 80 : index
        %get3A_361 = tpu.vector_load %arg11[%get3A_359, %get3A_360] {strides = array<i32>} : memref<128x128xf32, #tpu.memory_space<vmem>>, vector<1x16xf32>,
        %get3A_362 = vector.shape_cast %get3A_361 : vector<1x16xf32> to vector<16xf32>
        %mul3A_363 = arith.mulf %get3A_362, %gather3A_304 : vector<16xf32>
        %swap3A_364 = arith.index_cast %add3A_308 : i32 to index
        %swap3A_365 = arith.constant 80 : index
        %swap3A_366 = tpu.vector_load %arg11[%swap3A_364, %swap3A_365] {strides = array<i32>} : memref<128x128xf32, #tpu.memory_space<vmem>>, vector<1x16xf32>,
        %swap3A_367 = vector.shape_cast %swap3A_366 : vector<1x16xf32> to vector<16xf32>
        %swap3A_368 = vector.shape_cast %mul3A_363 : vector<16xf32> to vector<1x16xf32>
        tpu.vector_store %arg11[%swap3A_364, %swap3A_365], %swap3A_368 {strides = array<i32>} : memref<128x128xf32, #tpu.memory_space<vmem>>, vector<1x16xf32>,
        %get3A_369 = arith.index_cast %add3A_308 : i32 to index
        %get3A_370 = arith.constant 96 : index
        %get3A_371 = tpu.vector_load %arg11[%get3A_369, %get3A_370] {strides = array<i32>} : memref<128x128xf32, #tpu.memory_space<vmem>>, vector<1x16xf32>,
        %get3A_372 = vector.shape_cast %get3A_371 : vector<1x16xf32> to vector<16xf32>
        %mul3A_373 = arith.mulf %get3A_372, %gather3A_304 : vector<16xf32>
        %swap3A_374 = arith.index_cast %add3A_308 : i32 to index
        %swap3A_375 = arith.constant 96 : index
        %swap3A_376 = tpu.vector_load %arg11[%swap3A_374, %swap3A_375] {strides = array<i32>} : memref<128x128xf32, #tpu.memory_space<vmem>>, vector<1x16xf32>,
        %swap3A_377 = vector.shape_cast %swap3A_376 : vector<1x16xf32> to vector<16xf32>
        %swap3A_378 = vector.shape_cast %mul3A_373 : vector<16xf32> to vector<1x16xf32>
        tpu.vector_store %arg11[%swap3A_374, %swap3A_375], %swap3A_378 {strides = array<i32>} : memref<128x128xf32, #tpu.memory_space<vmem>>, vector<1x16xf32>,
        %get3A_379 = arith.index_cast %add3A_308 : i32 to index
        %get3A_380 = arith.constant 112 : index
        %get3A_381 = tpu.vector_load %arg11[%get3A_379, %get3A_380] {strides = array<i32>} : memref<128x128xf32, #tpu.memory_space<vmem>>, vector<1x16xf32>,
        %get3A_382 = vector.shape_cast %get3A_381 : vector<1x16xf32> to vector<16xf32>
        %mul3A_383 = arith.mulf %get3A_382, %gather3A_304 : vector<16xf32>
        %swap3A_384 = arith.index_cast %add3A_308 : i32 to index
        %swap3A_385 = arith.constant 112 : index
        %swap3A_386 = tpu.vector_load %arg11[%swap3A_384, %swap3A_385] {strides = array<i32>} : memref<128x128xf32, #tpu.memory_space<vmem>>, vector<1x16xf32>,
        %swap3A_387 = vector.shape_cast %swap3A_386 : vector<1x16xf32> to vector<16xf32>
        %swap3A_388 = vector.shape_cast %mul3A_383 : vector<16xf32> to vector<1x16xf32>
        tpu.vector_store %arg11[%swap3A_384, %swap3A_385], %swap3A_388 {strides = array<i32>} : memref<128x128xf32, #tpu.memory_space<vmem>>, vector<1x16xf32>,
        %broadcast_in_dim3A_389 = arith.constant 4 : i32
        %broadcast_in_dim3A_390 = vector.broadcast %broadcast_in_dim3A_389 : i32 to vector<16xi32>
        %broadcast_in_dim3A_391 = vector.shape_cast %broadcast_in_dim3A_390 : vector<16xi32> to vector<16x1xi32>
        %gather3A_392 = vector.shape_cast %broadcast_in_dim3A_391 : vector<16x1xi32> to vector<16xi32>
        %gather3A_393 = tpu.dynamic_gather %get3A_35[%gather3A_392] in [0] : vector<16xf32>, vector<16xi32> -> vector<16xf32>
        %mul3A_394 = arith.constant 16 : i32
        %mul3A_395 = arith.muli %scan3A_30, %mul3A_394 : i32
        %add3A_396 = arith.constant 4 : i32
        %add3A_397 = arith.addi %mul3A_395, %add3A_396 : i32
        %get3A_398 = arith.index_cast %add3A_397 : i32 to index
        %get3A_399 = arith.constant 0 : index
        %get3A_400 = tpu.vector_load %arg11[%get3A_398, %get3A_399] {strides = array<i32>} : memref<128x128xf32, #tpu.memory_space<vmem>>, vector<1x16xf32>,
        %get3A_401 = vector.shape_cast %get3A_400 : vector<1x16xf32> to vector<16xf32>
        %mul3A_402 = arith.mulf %get3A_401, %gather3A_393 : vector<16xf32>
        %swap3A_403 = arith.index_cast %add3A_397 : i32 to index
        %swap3A_404 = arith.constant 0 : index
        %swap3A_405 = tpu.vector_load %arg11[%swap3A_403, %swap3A_404] {strides = array<i32>} : memref<128x128xf32, #tpu.memory_space<vmem>>, vector<1x16xf32>,
        %swap3A_406 = vector.shape_cast %swap3A_405 : vector<1x16xf32> to vector<16xf32>
        %swap3A_407 = vector.shape_cast %mul3A_402 : vector<16xf32> to vector<1x16xf32>
        tpu.vector_store %arg11[%swap3A_403, %swap3A_404], %swap3A_407 {strides = array<i32>} : memref<128x128xf32, #tpu.memory_space<vmem>>, vector<1x16xf32>,
        %get3A_408 = arith.index_cast %add3A_397 : i32 to index
        %get3A_409 = arith.constant 16 : index
        %get3A_410 = tpu.vector_load %arg11[%get3A_408, %get3A_409] {strides = array<i32>} : memref<128x128xf32, #tpu.memory_space<vmem>>, vector<1x16xf32>,
        %get3A_411 = vector.shape_cast %get3A_410 : vector<1x16xf32> to vector<16xf32>
        %mul3A_412 = arith.mulf %get3A_411, %gather3A_393 : vector<16xf32>
        %swap3A_413 = arith.index_cast %add3A_397 : i32 to index
        %swap3A_414 = arith.constant 16 : index
        %swap3A_415 = tpu.vector_load %arg11[%swap3A_413, %swap3A_414] {strides = array<i32>} : memref<128x128xf32, #tpu.memory_space<vmem>>, vector<1x16xf32>,
        %swap3A_416 = vector.shape_cast %swap3A_415 : vector<1x16xf32> to vector<16xf32>
        %swap3A_417 = vector.shape_cast %mul3A_412 : vector<16xf32> to vector<1x16xf32>
        tpu.vector_store %arg11[%swap3A_413, %swap3A_414], %swap3A_417 {strides = array<i32>} : memref<128x128xf32, #tpu.memory_space<vmem>>, vector<1x16xf32>,
        %get3A_418 = arith.index_cast %add3A_397 : i32 to index
        %get3A_419 = arith.constant 32 : index
        %get3A_420 = tpu.vector_load %arg11[%get3A_418, %get3A_419] {strides = array<i32>} : memref<128x128xf32, #tpu.memory_space<vmem>>, vector<1x16xf32>,
        %get3A_421 = vector.shape_cast %get3A_420 : vector<1x16xf32> to vector<16xf32>
        %mul3A_422 = arith.mulf %get3A_421, %gather3A_393 : vector<16xf32>
        %swap3A_423 = arith.index_cast %add3A_397 : i32 to index
        %swap3A_424 = arith.constant 32 : index
        %swap3A_425 = tpu.vector_load %arg11[%swap3A_423, %swap3A_424] {strides = array<i32>} : memref<128x128xf32, #tpu.memory_space<vmem>>, vector<1x16xf32>,
        %swap3A_426 = vector.shape_cast %swap3A_425 : vector<1x16xf32> to vector<16xf32>
        %swap3A_427 = vector.shape_cast %mul3A_422 : vector<16xf32> to vector<1x16xf32>
        tpu.vector_store %arg11[%swap3A_423, %swap3A_424], %swap3A_427 {strides = array<i32>} : memref<128x128xf32, #tpu.memory_space<vmem>>, vector<1x16xf32>,
        %get3A_428 = arith.index_cast %add3A_397 : i32 to index
        %get3A_429 = arith.constant 48 : index
        %get3A_430 = tpu.vector_load %arg11[%get3A_428, %get3A_429] {strides = array<i32>} : memref<128x128xf32, #tpu.memory_space<vmem>>, vector<1x16xf32>,
        %get3A_431 = vector.shape_cast %get3A_430 : vector<1x16xf32> to vector<16xf32>
        %mul3A_432 = arith.mulf %get3A_431, %gather3A_393 : vector<16xf32>
        %swap3A_433 = arith.index_cast %add3A_397 : i32 to index
        %swap3A_434 = arith.constant 48 : index
        %swap3A_435 = tpu.vector_load %arg11[%swap3A_433, %swap3A_434] {strides = array<i32>} : memref<128x128xf32, #tpu.memory_space<vmem>>, vector<1x16xf32>,
        %swap3A_436 = vector.shape_cast %swap3A_435 : vector<1x16xf32> to vector<16xf32>
        %swap3A_437 = vector.shape_cast %mul3A_432 : vector<16xf32> to vector<1x16xf32>
        tpu.vector_store %arg11[%swap3A_433, %swap3A_434], %swap3A_437 {strides = array<i32>} : memref<128x128xf32, #tpu.memory_space<vmem>>, vector<1x16xf32>,
        %get3A_438 = arith.index_cast %add3A_397 : i32 to index
        %get3A_439 = arith.constant 64 : index
        %get3A_440 = tpu.vector_load %arg11[%get3A_438, %get3A_439] {strides = array<i32>} : memref<128x128xf32, #tpu.memory_space<vmem>>, vector<1x16xf32>,
        %get3A_441 = vector.shape_cast %get3A_440 : vector<1x16xf32> to vector<16xf32>
        %mul3A_442 = arith.mulf %get3A_441, %gather3A_393 : vector<16xf32>
        %swap3A_443 = arith.index_cast %add3A_397 : i32 to index
        %swap3A_444 = arith.constant 64 : index
        %swap3A_445 = tpu.vector_load %arg11[%swap3A_443, %swap3A_444] {strides = array<i32>} : memref<128x128xf32, #tpu.memory_space<vmem>>, vector<1x16xf32>,
        %swap3A_446 = vector.shape_cast %swap3A_445 : vector<1x16xf32> to vector<16xf32>
        %swap3A_447 = vector.shape_cast %mul3A_442 : vector<16xf32> to vector<1x16xf32>
        tpu.vector_store %arg11[%swap3A_443, %swap3A_444], %swap3A_447 {strides = array<i32>} : memref<128x128xf32, #tpu.memory_space<vmem>>, vector<1x16xf32>,
        %get3A_448 = arith.index_cast %add3A_397 : i32 to index
        %get3A_449 = arith.constant 80 : index
        %get3A_450 = tpu.vector_load %arg11[%get3A_448, %get3A_449] {strides = array<i32>} : memref<128x128xf32, #tpu.memory_space<vmem>>, vector<1x16xf32>,
        %get3A_451 = vector.shape_cast %get3A_450 : vector<1x16xf32> to vector<16xf32>
        %mul3A_452 = arith.mulf %get3A_451, %gather3A_393 : vector<16xf32>
        %swap3A_453 = arith.index_cast %add3A_397 : i32 to index
        %swap3A_454 = arith.constant 80 : index
        %swap3A_455 = tpu.vector_load %arg11[%swap3A_453, %swap3A_454] {strides = array<i32>} : memref<128x128xf32, #tpu.memory_space<vmem>>, vector<1x16xf32>,
        %swap3A_456 = vector.shape_cast %swap3A_455 : vector<1x16xf32> to vector<16xf32>
        %swap3A_457 = vector.shape_cast %mul3A_452 : vector<16xf32> to vector<1x16xf32>
        tpu.vector_store %arg11[%swap3A_453, %swap3A_454], %swap3A_457 {strides = array<i32>} : memref<128x128xf32, #tpu.memory_space<vmem>>, vector<1x16xf32>,
        %get3A_458 = arith.index_cast %add3A_397 : i32 to index
        %get3A_459 = arith.constant 96 : index
        %get3A_460 = tpu.vector_load %arg11[%get3A_458, %get3A_459] {strides = array<i32>} : memref<128x128xf32, #tpu.memory_space<vmem>>, vector<1x16xf32>,
        %get3A_461 = vector.shape_cast %get3A_460 : vector<1x16xf32> to vector<16xf32>
        %mul3A_462 = arith.mulf %get3A_461, %gather3A_393 : vector<16xf32>
        %swap3A_463 = arith.index_cast %add3A_397 : i32 to index
        %swap3A_464 = arith.constant 96 : index
        %swap3A_465 = tpu.vector_load %arg11[%swap3A_463, %swap3A_464] {strides = array<i32>} : memref<128x128xf32, #tpu.memory_space<vmem>>, vector<1x16xf32>,
        %swap3A_466 = vector.shape_cast %swap3A_465 : vector<1x16xf32> to vector<16xf32>
        %swap3A_467 = vector.shape_cast %mul3A_462 : vector<16xf32> to vector<1x16xf32>
        tpu.vector_store %arg11[%swap3A_463, %swap3A_464], %swap3A_467 {strides = array<i32>} : memref<128x128xf32, #tpu.memory_space<vmem>>, vector<1x16xf32>,
        %get3A_468 = arith.index_cast %add3A_397 : i32 to index
        %get3A_469 = arith.constant 112 : index
        %get3A_470 = tpu.vector_load %arg11[%get3A_468, %get3A_469] {strides = array<i32>} : memref<128x128xf32, #tpu.memory_space<vmem>>, vector<1x16xf32>,
        %get3A_471 = vector.shape_cast %get3A_470 : vector<1x16xf32> to vector<16xf32>
        %mul3A_472 = arith.mulf %get3A_471, %gather3A_393 : vector<16xf32>
        %swap3A_473 = arith.index_cast %add3A_397 : i32 to index
        %swap3A_474 = arith.constant 112 : index
        %swap3A_475 = tpu.vector_load %arg11[%swap3A_473, %swap3A_474] {strides = array<i32>} : memref<128x128xf32, #tpu.memory_space<vmem>>, vector<1x16xf32>,
        %swap3A_476 = vector.shape_cast %swap3A_475 : vector<1x16xf32> to vector<16xf32>
        %swap3A_477 = vector.shape_cast %mul3A_472 : vector<16xf32> to vector<1x16xf32>
        tpu.vector_store %arg11[%swap3A_473, %swap3A_474], %swap3A_477 {strides = array<i32>} : memref<128x128xf32, #tpu.memory_space<vmem>>, vector<1x16xf32>,
        %broadcast_in_dim3A_478 = arith.constant 5 : i32
        %broadcast_in_dim3A_479 = vector.broadcast %broadcast_in_dim3A_478 : i32 to vector<16xi32>
        %broadcast_in_dim3A_480 = vector.shape_cast %broadcast_in_dim3A_479 : vector<16xi32> to vector<16x1xi32>
        %gather3A_481 = vector.shape_cast %broadcast_in_dim3A_480 : vector<16x1xi32> to vector<16xi32>
        %gather3A_482 = tpu.dynamic_gather %get3A_35[%gather3A_481] in [0] : vector<16xf32>, vector<16xi32> -> vector<16xf32>
        %mul3A_483 = arith.constant 16 : i32
        %mul3A_484 = arith.muli %scan3A_30, %mul3A_483 : i32
        %add3A_485 = arith.constant 5 : i32
        %add3A_486 = arith.addi %mul3A_484, %add3A_485 : i32
        %get3A_487 = arith.index_cast %add3A_486 : i32 to index
        %get3A_488 = arith.constant 0 : index
        %get3A_489 = tpu.vector_load %arg11[%get3A_487, %get3A_488] {strides = array<i32>} : memref<128x128xf32, #tpu.memory_space<vmem>>, vector<1x16xf32>,
        %get3A_490 = vector.shape_cast %get3A_489 : vector<1x16xf32> to vector<16xf32>
        %mul3A_491 = arith.mulf %get3A_490, %gather3A_482 : vector<16xf32>
        %swap3A_492 = arith.index_cast %add3A_486 : i32 to index
        %swap3A_493 = arith.constant 0 : index
        %swap3A_494 = tpu.vector_load %arg11[%swap3A_492, %swap3A_493] {strides = array<i32>} : memref<128x128xf32, #tpu.memory_space<vmem>>, vector<1x16xf32>,
        %swap3A_495 = vector.shape_cast %swap3A_494 : vector<1x16xf32> to vector<16xf32>
        %swap3A_496 = vector.shape_cast %mul3A_491 : vector<16xf32> to vector<1x16xf32>
        tpu.vector_store %arg11[%swap3A_492, %swap3A_493], %swap3A_496 {strides = array<i32>} : memref<128x128xf32, #tpu.memory_space<vmem>>, vector<1x16xf32>,
        %get3A_497 = arith.index_cast %add3A_486 : i32 to index
        %get3A_498 = arith.constant 16 : index
        %get3A_499 = tpu.vector_load %arg11[%get3A_497, %get3A_498] {strides = array<i32>} : memref<128x128xf32, #tpu.memory_space<vmem>>, vector<1x16xf32>,
        %get3A_500 = vector.shape_cast %get3A_499 : vector<1x16xf32> to vector<16xf32>
        %mul3A_501 = arith.mulf %get3A_500, %gather3A_482 : vector<16xf32>
        %swap3A_502 = arith.index_cast %add3A_486 : i32 to index
        %swap3A_503 = arith.constant 16 : index
        %swap3A_504 = tpu.vector_load %arg11[%swap3A_502, %swap3A_503] {strides = array<i32>} : memref<128x128xf32, #tpu.memory_space<vmem>>, vector<1x16xf32>,
        %swap3A_505 = vector.shape_cast %swap3A_504 : vector<1x16xf32> to vector<16xf32>
        %swap3A_506 = vector.shape_cast %mul3A_501 : vector<16xf32> to vector<1x16xf32>
        tpu.vector_store %arg11[%swap3A_502, %swap3A_503], %swap3A_506 {strides = array<i32>} : memref<128x128xf32, #tpu.memory_space<vmem>>, vector<1x16xf32>,
        %get3A_507 = arith.index_cast %add3A_486 : i32 to index
        %get3A_508 = arith.constant 32 : index
        %get3A_509 = tpu.vector_load %arg11[%get3A_507, %get3A_508] {strides = array<i32>} : memref<128x128xf32, #tpu.memory_space<vmem>>, vector<1x16xf32>,
        %get3A_510 = vector.shape_cast %get3A_509 : vector<1x16xf32> to vector<16xf32>
        %mul3A_511 = arith.mulf %get3A_510, %gather3A_482 : vector<16xf32>
        %swap3A_512 = arith.index_cast %add3A_486 : i32 to index
        %swap3A_513 = arith.constant 32 : index
        %swap3A_514 = tpu.vector_load %arg11[%swap3A_512, %swap3A_513] {strides = array<i32>} : memref<128x128xf32, #tpu.memory_space<vmem>>, vector<1x16xf32>,
        %swap3A_515 = vector.shape_cast %swap3A_514 : vector<1x16xf32> to vector<16xf32>
        %swap3A_516 = vector.shape_cast %mul3A_511 : vector<16xf32> to vector<1x16xf32>
        tpu.vector_store %arg11[%swap3A_512, %swap3A_513], %swap3A_516 {strides = array<i32>} : memref<128x128xf32, #tpu.memory_space<vmem>>, vector<1x16xf32>,
        %get3A_517 = arith.index_cast %add3A_486 : i32 to index
        %get3A_518 = arith.constant 48 : index
        %get3A_519 = tpu.vector_load %arg11[%get3A_517, %get3A_518] {strides = array<i32>} : memref<128x128xf32, #tpu.memory_space<vmem>>, vector<1x16xf32>,
        %get3A_520 = vector.shape_cast %get3A_519 : vector<1x16xf32> to vector<16xf32>
        %mul3A_521 = arith.mulf %get3A_520, %gather3A_482 : vector<16xf32>
        %swap3A_522 = arith.index_cast %add3A_486 : i32 to index
        %swap3A_523 = arith.constant 48 : index
        %swap3A_524 = tpu.vector_load %arg11[%swap3A_522, %swap3A_523] {strides = array<i32>} : memref<128x128xf32, #tpu.memory_space<vmem>>, vector<1x16xf32>,
        %swap3A_525 = vector.shape_cast %swap3A_524 : vector<1x16xf32> to vector<16xf32>
        %swap3A_526 = vector.shape_cast %mul3A_521 : vector<16xf32> to vector<1x16xf32>
        tpu.vector_store %arg11[%swap3A_522, %swap3A_523], %swap3A_526 {strides = array<i32>} : memref<128x128xf32, #tpu.memory_space<vmem>>, vector<1x16xf32>,
        %get3A_527 = arith.index_cast %add3A_486 : i32 to index
        %get3A_528 = arith.constant 64 : index
        %get3A_529 = tpu.vector_load %arg11[%get3A_527, %get3A_528] {strides = array<i32>} : memref<128x128xf32, #tpu.memory_space<vmem>>, vector<1x16xf32>,
        %get3A_530 = vector.shape_cast %get3A_529 : vector<1x16xf32> to vector<16xf32>
        %mul3A_531 = arith.mulf %get3A_530, %gather3A_482 : vector<16xf32>
        %swap3A_532 = arith.index_cast %add3A_486 : i32 to index
        %swap3A_533 = arith.constant 64 : index
        %swap3A_534 = tpu.vector_load %arg11[%swap3A_532, %swap3A_533] {strides = array<i32>} : memref<128x128xf32, #tpu.memory_space<vmem>>, vector<1x16xf32>,
        %swap3A_535 = vector.shape_cast %swap3A_534 : vector<1x16xf32> to vector<16xf32>
        %swap3A_536 = vector.shape_cast %mul3A_531 : vector<16xf32> to vector<1x16xf32>
        tpu.vector_store %arg11[%swap3A_532, %swap3A_533], %swap3A_536 {strides = array<i32>} : memref<128x128xf32, #tpu.memory_space<vmem>>, vector<1x16xf32>,
        %get3A_537 = arith.index_cast %add3A_486 : i32 to index
        %get3A_538 = arith.constant 80 : index
        %get3A_539 = tpu.vector_load %arg11[%get3A_537, %get3A_538] {strides = array<i32>} : memref<128x128xf32, #tpu.memory_space<vmem>>, vector<1x16xf32>,
        %get3A_540 = vector.shape_cast %get3A_539 : vector<1x16xf32> to vector<16xf32>
        %mul3A_541 = arith.mulf %get3A_540, %gather3A_482 : vector<16xf32>
        %swap3A_542 = arith.index_cast %add3A_486 : i32 to index
        %swap3A_543 = arith.constant 80 : index
        %swap3A_544 = tpu.vector_load %arg11[%swap3A_542, %swap3A_543] {strides = array<i32>} : memref<128x128xf32, #tpu.memory_space<vmem>>, vector<1x16xf32>,
        %swap3A_545 = vector.shape_cast %swap3A_544 : vector<1x16xf32> to vector<16xf32>
        %swap3A_546 = vector.shape_cast %mul3A_541 : vector<16xf32> to vector<1x16xf32>
        tpu.vector_store %arg11[%swap3A_542, %swap3A_543], %swap3A_546 {strides = array<i32>} : memref<128x128xf32, #tpu.memory_space<vmem>>, vector<1x16xf32>,
        %get3A_547 = arith.index_cast %add3A_486 : i32 to index
        %get3A_548 = arith.constant 96 : index
        %get3A_549 = tpu.vector_load %arg11[%get3A_547, %get3A_548] {strides = array<i32>} : memref<128x128xf32, #tpu.memory_space<vmem>>, vector<1x16xf32>,
        %get3A_550 = vector.shape_cast %get3A_549 : vector<1x16xf32> to vector<16xf32>
        %mul3A_551 = arith.mulf %get3A_550, %gather3A_482 : vector<16xf32>
        %swap3A_552 = arith.index_cast %add3A_486 : i32 to index
        %swap3A_553 = arith.constant 96 : index
        %swap3A_554 = tpu.vector_load %arg11[%swap3A_552, %swap3A_553] {strides = array<i32>} : memref<128x128xf32, #tpu.memory_space<vmem>>, vector<1x16xf32>,
        %swap3A_555 = vector.shape_cast %swap3A_554 : vector<1x16xf32> to vector<16xf32>
        %swap3A_556 = vector.shape_cast %mul3A_551 : vector<16xf32> to vector<1x16xf32>
        tpu.vector_store %arg11[%swap3A_552, %swap3A_553], %swap3A_556 {strides = array<i32>} : memref<128x128xf32, #tpu.memory_space<vmem>>, vector<1x16xf32>,
        %get3A_557 = arith.index_cast %add3A_486 : i32 to index
        %get3A_558 = arith.constant 112 : index
        %get3A_559 = tpu.vector_load %arg11[%get3A_557, %get3A_558] {strides = array<i32>} : memref<128x128xf32, #tpu.memory_space<vmem>>, vector<1x16xf32>,
        %get3A_560 = vector.shape_cast %get3A_559 : vector<1x16xf32> to vector<16xf32>
        %mul3A_561 = arith.mulf %get3A_560, %gather3A_482 : vector<16xf32>
        %swap3A_562 = arith.index_cast %add3A_486 : i32 to index
        %swap3A_563 = arith.constant 112 : index
        %swap3A_564 = tpu.vector_load %arg11[%swap3A_562, %swap3A_563] {strides = array<i32>} : memref<128x128xf32, #tpu.memory_space<vmem>>, vector<1x16xf32>,
        %swap3A_565 = vector.shape_cast %swap3A_564 : vector<1x16xf32> to vector<16xf32>
        %swap3A_566 = vector.shape_cast %mul3A_561 : vector<16xf32> to vector<1x16xf32>
        tpu.vector_store %arg11[%swap3A_562, %swap3A_563], %swap3A_566 {strides = array<i32>} : memref<128x128xf32, #tpu.memory_space<vmem>>, vector<1x16xf32>,
        %broadcast_in_dim3A_567 = arith.constant 6 : i32
        %broadcast_in_dim3A_568 = vector.broadcast %broadcast_in_dim3A_567 : i32 to vector<16xi32>
        %broadcast_in_dim3A_569 = vector.shape_cast %broadcast_in_dim3A_568 : vector<16xi32> to vector<16x1xi32>
        %gather3A_570 = vector.shape_cast %broadcast_in_dim3A_569 : vector<16x1xi32> to vector<16xi32>
        %gather3A_571 = tpu.dynamic_gather %get3A_35[%gather3A_570] in [0] : vector<16xf32>, vector<16xi32> -> vector<16xf32>
        %mul3A_572 = arith.constant 16 : i32
        %mul3A_573 = arith.muli %scan3A_30, %mul3A_572 : i32
        %add3A_574 = arith.constant 6 : i32
        %add3A_575 = arith.addi %mul3A_573, %add3A_574 : i32
        %get3A_576 = arith.index_cast %add3A_575 : i32 to index
        %get3A_577 = arith.constant 0 : index
        %get3A_578 = tpu.vector_load %arg11[%get3A_576, %get3A_577] {strides = array<i32>} : memref<128x128xf32, #tpu.memory_space<vmem>>, vector<1x16xf32>,
        %get3A_579 = vector.shape_cast %get3A_578 : vector<1x16xf32> to vector<16xf32>
        %mul3A_580 = arith.mulf %get3A_579, %gather3A_571 : vector<16xf32>
        %swap3A_581 = arith.index_cast %add3A_575 : i32 to index
        %swap3A_582 = arith.constant 0 : index
        %swap3A_583 = tpu.vector_load %arg11[%swap3A_581, %swap3A_582] {strides = array<i32>} : memref<128x128xf32, #tpu.memory_space<vmem>>, vector<1x16xf32>,
        %swap3A_584 = vector.shape_cast %swap3A_583 : vector<1x16xf32> to vector<16xf32>
        %swap3A_585 = vector.shape_cast %mul3A_580 : vector<16xf32> to vector<1x16xf32>
        tpu.vector_store %arg11[%swap3A_581, %swap3A_582], %swap3A_585 {strides = array<i32>} : memref<128x128xf32, #tpu.memory_space<vmem>>, vector<1x16xf32>,
        %get3A_586 = arith.index_cast %add3A_575 : i32 to index
        %get3A_587 = arith.constant 16 : index
        %get3A_588 = tpu.vector_load %arg11[%get3A_586, %get3A_587] {strides = array<i32>} : memref<128x128xf32, #tpu.memory_space<vmem>>, vector<1x16xf32>,
        %get3A_589 = vector.shape_cast %get3A_588 : vector<1x16xf32> to vector<16xf32>
        %mul3A_590 = arith.mulf %get3A_589, %gather3A_571 : vector<16xf32>
        %swap3A_591 = arith.index_cast %add3A_575 : i32 to index
        %swap3A_592 = arith.constant 16 : index
        %swap3A_593 = tpu.vector_load %arg11[%swap3A_591, %swap3A_592] {strides = array<i32>} : memref<128x128xf32, #tpu.memory_space<vmem>>, vector<1x16xf32>,
        %swap3A_594 = vector.shape_cast %swap3A_593 : vector<1x16xf32> to vector<16xf32>
        %swap3A_595 = vector.shape_cast %mul3A_590 : vector<16xf32> to vector<1x16xf32>
        tpu.vector_store %arg11[%swap3A_591, %swap3A_592], %swap3A_595 {strides = array<i32>} : memref<128x128xf32, #tpu.memory_space<vmem>>, vector<1x16xf32>,
        %get3A_596 = arith.index_cast %add3A_575 : i32 to index
        %get3A_597 = arith.constant 32 : index
        %get3A_598 = tpu.vector_load %arg11[%get3A_596, %get3A_597] {strides = array<i32>} : memref<128x128xf32, #tpu.memory_space<vmem>>, vector<1x16xf32>,
        %get3A_599 = vector.shape_cast %get3A_598 : vector<1x16xf32> to vector<16xf32>
        %mul3A_600 = arith.mulf %get3A_599, %gather3A_571 : vector<16xf32>
        %swap3A_601 = arith.index_cast %add3A_575 : i32 to index
        %swap3A_602 = arith.constant 32 : index
        %swap3A_603 = tpu.vector_load %arg11[%swap3A_601, %swap3A_602] {strides = array<i32>} : memref<128x128xf32, #tpu.memory_space<vmem>>, vector<1x16xf32>,
        %swap3A_604 = vector.shape_cast %swap3A_603 : vector<1x16xf32> to vector<16xf32>
        %swap3A_605 = vector.shape_cast %mul3A_600 : vector<16xf32> to vector<1x16xf32>
        tpu.vector_store %arg11[%swap3A_601, %swap3A_602], %swap3A_605 {strides = array<i32>} : memref<128x128xf32, #tpu.memory_space<vmem>>, vector<1x16xf32>,
        %get3A_606 = arith.index_cast %add3A_575 : i32 to index
        %get3A_607 = arith.constant 48 : index
        %get3A_608 = tpu.vector_load %arg11[%get3A_606, %get3A_607] {strides = array<i32>} : memref<128x128xf32, #tpu.memory_space<vmem>>, vector<1x16xf32>,
        %get3A_609 = vector.shape_cast %get3A_608 : vector<1x16xf32> to vector<16xf32>
        %mul3A_610 = arith.mulf %get3A_609, %gather3A_571 : vector<16xf32>
        %swap3A_611 = arith.index_cast %add3A_575 : i32 to index
        %swap3A_612 = arith.constant 48 : index
        %swap3A_613 = tpu.vector_load %arg11[%swap3A_611, %swap3A_612] {strides = array<i32>} : memref<128x128xf32, #tpu.memory_space<vmem>>, vector<1x16xf32>,
        %swap3A_614 = vector.shape_cast %swap3A_613 : vector<1x16xf32> to vector<16xf32>
        %swap3A_615 = vector.shape_cast %mul3A_610 : vector<16xf32> to vector<1x16xf32>
        tpu.vector_store %arg11[%swap3A_611, %swap3A_612], %swap3A_615 {strides = array<i32>} : memref<128x128xf32, #tpu.memory_space<vmem>>, vector<1x16xf32>,
        %get3A_616 = arith.index_cast %add3A_575 : i32 to index
        %get3A_617 = arith.constant 64 : index
        %get3A_618 = tpu.vector_load %arg11[%get3A_616, %get3A_617] {strides = array<i32>} : memref<128x128xf32, #tpu.memory_space<vmem>>, vector<1x16xf32>,
        %get3A_619 = vector.shape_cast %get3A_618 : vector<1x16xf32> to vector<16xf32>
        %mul3A_620 = arith.mulf %get3A_619, %gather3A_571 : vector<16xf32>
        %swap3A_621 = arith.index_cast %add3A_575 : i32 to index
        %swap3A_622 = arith.constant 64 : index
        %swap3A_623 = tpu.vector_load %arg11[%swap3A_621, %swap3A_622] {strides = array<i32>} : memref<128x128xf32, #tpu.memory_space<vmem>>, vector<1x16xf32>,
        %swap3A_624 = vector.shape_cast %swap3A_623 : vector<1x16xf32> to vector<16xf32>
        %swap3A_625 = vector.shape_cast %mul3A_620 : vector<16xf32> to vector<1x16xf32>
        tpu.vector_store %arg11[%swap3A_621, %swap3A_622], %swap3A_625 {strides = array<i32>} : memref<128x128xf32, #tpu.memory_space<vmem>>, vector<1x16xf32>,
        %get3A_626 = arith.index_cast %add3A_575 : i32 to index
        %get3A_627 = arith.constant 80 : index
        %get3A_628 = tpu.vector_load %arg11[%get3A_626, %get3A_627] {strides = array<i32>} : memref<128x128xf32, #tpu.memory_space<vmem>>, vector<1x16xf32>,
        %get3A_629 = vector.shape_cast %get3A_628 : vector<1x16xf32> to vector<16xf32>
        %mul3A_630 = arith.mulf %get3A_629, %gather3A_571 : vector<16xf32>
        %swap3A_631 = arith.index_cast %add3A_575 : i32 to index
        %swap3A_632 = arith.constant 80 : index
        %swap3A_633 = tpu.vector_load %arg11[%swap3A_631, %swap3A_632] {strides = array<i32>} : memref<128x128xf32, #tpu.memory_space<vmem>>, vector<1x16xf32>,
        %swap3A_634 = vector.shape_cast %swap3A_633 : vector<1x16xf32> to vector<16xf32>
        %swap3A_635 = vector.shape_cast %mul3A_630 : vector<16xf32> to vector<1x16xf32>
        tpu.vector_store %arg11[%swap3A_631, %swap3A_632], %swap3A_635 {strides = array<i32>} : memref<128x128xf32, #tpu.memory_space<vmem>>, vector<1x16xf32>,
        %get3A_636 = arith.index_cast %add3A_575 : i32 to index
        %get3A_637 = arith.constant 96 : index
        %get3A_638 = tpu.vector_load %arg11[%get3A_636, %get3A_637] {strides = array<i32>} : memref<128x128xf32, #tpu.memory_space<vmem>>, vector<1x16xf32>,
        %get3A_639 = vector.shape_cast %get3A_638 : vector<1x16xf32> to vector<16xf32>
        %mul3A_640 = arith.mulf %get3A_639, %gather3A_571 : vector<16xf32>
        %swap3A_641 = arith.index_cast %add3A_575 : i32 to index
        %swap3A_642 = arith.constant 96 : index
        %swap3A_643 = tpu.vector_load %arg11[%swap3A_641, %swap3A_642] {strides = array<i32>} : memref<128x128xf32, #tpu.memory_space<vmem>>, vector<1x16xf32>,
        %swap3A_644 = vector.shape_cast %swap3A_643 : vector<1x16xf32> to vector<16xf32>
        %swap3A_645 = vector.shape_cast %mul3A_640 : vector<16xf32> to vector<1x16xf32>
        tpu.vector_store %arg11[%swap3A_641, %swap3A_642], %swap3A_645 {strides = array<i32>} : memref<128x128xf32, #tpu.memory_space<vmem>>, vector<1x16xf32>,
        %get3A_646 = arith.index_cast %add3A_575 : i32 to index
        %get3A_647 = arith.constant 112 : index
        %get3A_648 = tpu.vector_load %arg11[%get3A_646, %get3A_647] {strides = array<i32>} : memref<128x128xf32, #tpu.memory_space<vmem>>, vector<1x16xf32>,
        %get3A_649 = vector.shape_cast %get3A_648 : vector<1x16xf32> to vector<16xf32>
        %mul3A_650 = arith.mulf %get3A_649, %gather3A_571 : vector<16xf32>
        %swap3A_651 = arith.index_cast %add3A_575 : i32 to index
        %swap3A_652 = arith.constant 112 : index
        %swap3A_653 = tpu.vector_load %arg11[%swap3A_651, %swap3A_652] {strides = array<i32>} : memref<128x128xf32, #tpu.memory_space<vmem>>, vector<1x16xf32>,
        %swap3A_654 = vector.shape_cast %swap3A_653 : vector<1x16xf32> to vector<16xf32>
        %swap3A_655 = vector.shape_cast %mul3A_650 : vector<16xf32> to vector<1x16xf32>
        tpu.vector_store %arg11[%swap3A_651, %swap3A_652], %swap3A_655 {strides = array<i32>} : memref<128x128xf32, #tpu.memory_space<vmem>>, vector<1x16xf32>,
        %broadcast_in_dim3A_656 = arith.constant 7 : i32
        %broadcast_in_dim3A_657 = vector.broadcast %broadcast_in_dim3A_656 : i32 to vector<16xi32>
        %broadcast_in_dim3A_658 = vector.shape_cast %broadcast_in_dim3A_657 : vector<16xi32> to vector<16x1xi32>
        %gather3A_659 = vector.shape_cast %broadcast_in_dim3A_658 : vector<16x1xi32> to vector<16xi32>
        %gather3A_660 = tpu.dynamic_gather %get3A_35[%gather3A_659] in [0] : vector<16xf32>, vector<16xi32> -> vector<16xf32>
        %mul3A_661 = arith.constant 16 : i32
        %mul3A_662 = arith.muli %scan3A_30, %mul3A_661 : i32
        %add3A_663 = arith.constant 7 : i32
        %add3A_664 = arith.addi %mul3A_662, %add3A_663 : i32
        %get3A_665 = arith.index_cast %add3A_664 : i32 to index
        %get3A_666 = arith.constant 0 : index
        %get3A_667 = tpu.vector_load %arg11[%get3A_665, %get3A_666] {strides = array<i32>} : memref<128x128xf32, #tpu.memory_space<vmem>>, vector<1x16xf32>,
        %get3A_668 = vector.shape_cast %get3A_667 : vector<1x16xf32> to vector<16xf32>
        %mul3A_669 = arith.mulf %get3A_668, %gather3A_660 : vector<16xf32>
        %swap3A_670 = arith.index_cast %add3A_664 : i32 to index
        %swap3A_671 = arith.constant 0 : index
        %swap3A_672 = tpu.vector_load %arg11[%swap3A_670, %swap3A_671] {strides = array<i32>} : memref<128x128xf32, #tpu.memory_space<vmem>>, vector<1x16xf32>,
        %swap3A_673 = vector.shape_cast %swap3A_672 : vector<1x16xf32> to vector<16xf32>
        %swap3A_674 = vector.shape_cast %mul3A_669 : vector<16xf32> to vector<1x16xf32>
        tpu.vector_store %arg11[%swap3A_670, %swap3A_671], %swap3A_674 {strides = array<i32>} : memref<128x128xf32, #tpu.memory_space<vmem>>, vector<1x16xf32>,
        %get3A_675 = arith.index_cast %add3A_664 : i32 to index
        %get3A_676 = arith.constant 16 : index
        %get3A_677 = tpu.vector_load %arg11[%get3A_675, %get3A_676] {strides = array<i32>} : memref<128x128xf32, #tpu.memory_space<vmem>>, vector<1x16xf32>,
        %get3A_678 = vector.shape_cast %get3A_677 : vector<1x16xf32> to vector<16xf32>
        %mul3A_679 = arith.mulf %get3A_678, %gather3A_660 : vector<16xf32>
        %swap3A_680 = arith.index_cast %add3A_664 : i32 to index
        %swap3A_681 = arith.constant 16 : index
        %swap3A_682 = tpu.vector_load %arg11[%swap3A_680, %swap3A_681] {strides = array<i32>} : memref<128x128xf32, #tpu.memory_space<vmem>>, vector<1x16xf32>,
        %swap3A_683 = vector.shape_cast %swap3A_682 : vector<1x16xf32> to vector<16xf32>
        %swap3A_684 = vector.shape_cast %mul3A_679 : vector<16xf32> to vector<1x16xf32>
        tpu.vector_store %arg11[%swap3A_680, %swap3A_681], %swap3A_684 {strides = array<i32>} : memref<128x128xf32, #tpu.memory_space<vmem>>, vector<1x16xf32>,
        %get3A_685 = arith.index_cast %add3A_664 : i32 to index
        %get3A_686 = arith.constant 32 : index
        %get3A_687 = tpu.vector_load %arg11[%get3A_685, %get3A_686] {strides = array<i32>} : memref<128x128xf32, #tpu.memory_space<vmem>>, vector<1x16xf32>,
        %get3A_688 = vector.shape_cast %get3A_687 : vector<1x16xf32> to vector<16xf32>
        %mul3A_689 = arith.mulf %get3A_688, %gather3A_660 : vector<16xf32>
        %swap3A_690 = arith.index_cast %add3A_664 : i32 to index
        %swap3A_691 = arith.constant 32 : index
        %swap3A_692 = tpu.vector_load %arg11[%swap3A_690, %swap3A_691] {strides = array<i32>} : memref<128x128xf32, #tpu.memory_space<vmem>>, vector<1x16xf32>,
        %swap3A_693 = vector.shape_cast %swap3A_692 : vector<1x16xf32> to vector<16xf32>
        %swap3A_694 = vector.shape_cast %mul3A_689 : vector<16xf32> to vector<1x16xf32>
        tpu.vector_store %arg11[%swap3A_690, %swap3A_691], %swap3A_694 {strides = array<i32>} : memref<128x128xf32, #tpu.memory_space<vmem>>, vector<1x16xf32>,
        %get3A_695 = arith.index_cast %add3A_664 : i32 to index
        %get3A_696 = arith.constant 48 : index
        %get3A_697 = tpu.vector_load %arg11[%get3A_695, %get3A_696] {strides = array<i32>} : memref<128x128xf32, #tpu.memory_space<vmem>>, vector<1x16xf32>,
        %get3A_698 = vector.shape_cast %get3A_697 : vector<1x16xf32> to vector<16xf32>
        %mul3A_699 = arith.mulf %get3A_698, %gather3A_660 : vector<16xf32>
        %swap3A_700 = arith.index_cast %add3A_664 : i32 to index
        %swap3A_701 = arith.constant 48 : index
        %swap3A_702 = tpu.vector_load %arg11[%swap3A_700, %swap3A_701] {strides = array<i32>} : memref<128x128xf32, #tpu.memory_space<vmem>>, vector<1x16xf32>,
        %swap3A_703 = vector.shape_cast %swap3A_702 : vector<1x16xf32> to vector<16xf32>
        %swap3A_704 = vector.shape_cast %mul3A_699 : vector<16xf32> to vector<1x16xf32>
        tpu.vector_store %arg11[%swap3A_700, %swap3A_701], %swap3A_704 {strides = array<i32>} : memref<128x128xf32, #tpu.memory_space<vmem>>, vector<1x16xf32>,
        %get3A_705 = arith.index_cast %add3A_664 : i32 to index
        %get3A_706 = arith.constant 64 : index
        %get3A_707 = tpu.vector_load %arg11[%get3A_705, %get3A_706] {strides = array<i32>} : memref<128x128xf32, #tpu.memory_space<vmem>>, vector<1x16xf32>,
        %get3A_708 = vector.shape_cast %get3A_707 : vector<1x16xf32> to vector<16xf32>
        %mul3A_709 = arith.mulf %get3A_708, %gather3A_660 : vector<16xf32>
        %swap3A_710 = arith.index_cast %add3A_664 : i32 to index
        %swap3A_711 = arith.constant 64 : index
        %swap3A_712 = tpu.vector_load %arg11[%swap3A_710, %swap3A_711] {strides = array<i32>} : memref<128x128xf32, #tpu.memory_space<vmem>>, vector<1x16xf32>,
        %swap3A_713 = vector.shape_cast %swap3A_712 : vector<1x16xf32> to vector<16xf32>
        %swap3A_714 = vector.shape_cast %mul3A_709 : vector<16xf32> to vector<1x16xf32>
        tpu.vector_store %arg11[%swap3A_710, %swap3A_711], %swap3A_714 {strides = array<i32>} : memref<128x128xf32, #tpu.memory_space<vmem>>, vector<1x16xf32>,
        %get3A_715 = arith.index_cast %add3A_664 : i32 to index
        %get3A_716 = arith.constant 80 : index
        %get3A_717 = tpu.vector_load %arg11[%get3A_715, %get3A_716] {strides = array<i32>} : memref<128x128xf32, #tpu.memory_space<vmem>>, vector<1x16xf32>,
        %get3A_718 = vector.shape_cast %get3A_717 : vector<1x16xf32> to vector<16xf32>
        %mul3A_719 = arith.mulf %get3A_718, %gather3A_660 : vector<16xf32>
        %swap3A_720 = arith.index_cast %add3A_664 : i32 to index
        %swap3A_721 = arith.constant 80 : index
        %swap3A_722 = tpu.vector_load %arg11[%swap3A_720, %swap3A_721] {strides = array<i32>} : memref<128x128xf32, #tpu.memory_space<vmem>>, vector<1x16xf32>,
        %swap3A_723 = vector.shape_cast %swap3A_722 : vector<1x16xf32> to vector<16xf32>
        %swap3A_724 = vector.shape_cast %mul3A_719 : vector<16xf32> to vector<1x16xf32>
        tpu.vector_store %arg11[%swap3A_720, %swap3A_721], %swap3A_724 {strides = array<i32>} : memref<128x128xf32, #tpu.memory_space<vmem>>, vector<1x16xf32>,
        %get3A_725 = arith.index_cast %add3A_664 : i32 to index
        %get3A_726 = arith.constant 96 : index
        %get3A_727 = tpu.vector_load %arg11[%get3A_725, %get3A_726] {strides = array<i32>} : memref<128x128xf32, #tpu.memory_space<vmem>>, vector<1x16xf32>,
        %get3A_728 = vector.shape_cast %get3A_727 : vector<1x16xf32> to vector<16xf32>
        %mul3A_729 = arith.mulf %get3A_728, %gather3A_660 : vector<16xf32>
        %swap3A_730 = arith.index_cast %add3A_664 : i32 to index
        %swap3A_731 = arith.constant 96 : index
        %swap3A_732 = tpu.vector_load %arg11[%swap3A_730, %swap3A_731] {strides = array<i32>} : memref<128x128xf32, #tpu.memory_space<vmem>>, vector<1x16xf32>,
        %swap3A_733 = vector.shape_cast %swap3A_732 : vector<1x16xf32> to vector<16xf32>
        %swap3A_734 = vector.shape_cast %mul3A_729 : vector<16xf32> to vector<1x16xf32>
        tpu.vector_store %arg11[%swap3A_730, %swap3A_731], %swap3A_734 {strides = array<i32>} : memref<128x128xf32, #tpu.memory_space<vmem>>, vector<1x16xf32>,
        %get3A_735 = arith.index_cast %add3A_664 : i32 to index
        %get3A_736 = arith.constant 112 : index
        %get3A_737 = tpu.vector_load %arg11[%get3A_735, %get3A_736] {strides = array<i32>} : memref<128x128xf32, #tpu.memory_space<vmem>>, vector<1x16xf32>,
        %get3A_738 = vector.shape_cast %get3A_737 : vector<1x16xf32> to vector<16xf32>
        %mul3A_739 = arith.mulf %get3A_738, %gather3A_660 : vector<16xf32>
        %swap3A_740 = arith.index_cast %add3A_664 : i32 to index
        %swap3A_741 = arith.constant 112 : index
        %swap3A_742 = tpu.vector_load %arg11[%swap3A_740, %swap3A_741] {strides = array<i32>} : memref<128x128xf32, #tpu.memory_space<vmem>>, vector<1x16xf32>,
        %swap3A_743 = vector.shape_cast %swap3A_742 : vector<1x16xf32> to vector<16xf32>
        %swap3A_744 = vector.shape_cast %mul3A_739 : vector<16xf32> to vector<1x16xf32>
        tpu.vector_store %arg11[%swap3A_740, %swap3A_741], %swap3A_744 {strides = array<i32>} : memref<128x128xf32, #tpu.memory_space<vmem>>, vector<1x16xf32>,
        %broadcast_in_dim3A_745 = arith.constant 8 : i32
        %broadcast_in_dim3A_746 = vector.broadcast %broadcast_in_dim3A_745 : i32 to vector<16xi32>
        %broadcast_in_dim3A_747 = vector.shape_cast %broadcast_in_dim3A_746 : vector<16xi32> to vector<16x1xi32>
        %gather3A_748 = vector.shape_cast %broadcast_in_dim3A_747 : vector<16x1xi32> to vector<16xi32>
        %gather3A_749 = tpu.dynamic_gather %get3A_35[%gather3A_748] in [0] : vector<16xf32>, vector<16xi32> -> vector<16xf32>
        %mul3A_750 = arith.constant 16 : i32
        %mul3A_751 = arith.muli %scan3A_30, %mul3A_750 : i32
        %add3A_752 = arith.constant 8 : i32
        %add3A_753 = arith.addi %mul3A_751, %add3A_752 : i32
        %get3A_754 = arith.index_cast %add3A_753 : i32 to index
        %get3A_755 = arith.constant 0 : index
        %get3A_756 = tpu.vector_load %arg11[%get3A_754, %get3A_755] {strides = array<i32>} : memref<128x128xf32, #tpu.memory_space<vmem>>, vector<1x16xf32>,
        %get3A_757 = vector.shape_cast %get3A_756 : vector<1x16xf32> to vector<16xf32>
        %mul3A_758 = arith.mulf %get3A_757, %gather3A_749 : vector<16xf32>
        %swap3A_759 = arith.index_cast %add3A_753 : i32 to index
        %swap3A_760 = arith.constant 0 : index
        %swap3A_761 = tpu.vector_load %arg11[%swap3A_759, %swap3A_760] {strides = array<i32>} : memref<128x128xf32, #tpu.memory_space<vmem>>, vector<1x16xf32>,
        %swap3A_762 = vector.shape_cast %swap3A_761 : vector<1x16xf32> to vector<16xf32>
        %swap3A_763 = vector.shape_cast %mul3A_758 : vector<16xf32> to vector<1x16xf32>
        tpu.vector_store %arg11[%swap3A_759, %swap3A_760], %swap3A_763 {strides = array<i32>} : memref<128x128xf32, #tpu.memory_space<vmem>>, vector<1x16xf32>,
        %get3A_764 = arith.index_cast %add3A_753 : i32 to index
        %get3A_765 = arith.constant 16 : index
        %get3A_766 = tpu.vector_load %arg11[%get3A_764, %get3A_765] {strides = array<i32>} : memref<128x128xf32, #tpu.memory_space<vmem>>, vector<1x16xf32>,
        %get3A_767 = vector.shape_cast %get3A_766 : vector<1x16xf32> to vector<16xf32>
        %mul3A_768 = arith.mulf %get3A_767, %gather3A_749 : vector<16xf32>
        %swap3A_769 = arith.index_cast %add3A_753 : i32 to index
        %swap3A_770 = arith.constant 16 : index
        %swap3A_771 = tpu.vector_load %arg11[%swap3A_769, %swap3A_770] {strides = array<i32>} : memref<128x128xf32, #tpu.memory_space<vmem>>, vector<1x16xf32>,
        %swap3A_772 = vector.shape_cast %swap3A_771 : vector<1x16xf32> to vector<16xf32>
        %swap3A_773 = vector.shape_cast %mul3A_768 : vector<16xf32> to vector<1x16xf32>
        tpu.vector_store %arg11[%swap3A_769, %swap3A_770], %swap3A_773 {strides = array<i32>} : memref<128x128xf32, #tpu.memory_space<vmem>>, vector<1x16xf32>,
        %get3A_774 = arith.index_cast %add3A_753 : i32 to index
        %get3A_775 = arith.constant 32 : index
        %get3A_776 = tpu.vector_load %arg11[%get3A_774, %get3A_775] {strides = array<i32>} : memref<128x128xf32, #tpu.memory_space<vmem>>, vector<1x16xf32>,
        %get3A_777 = vector.shape_cast %get3A_776 : vector<1x16xf32> to vector<16xf32>
        %mul3A_778 = arith.mulf %get3A_777, %gather3A_749 : vector<16xf32>
        %swap3A_779 = arith.index_cast %add3A_753 : i32 to index
        %swap3A_780 = arith.constant 32 : index
        %swap3A_781 = tpu.vector_load %arg11[%swap3A_779, %swap3A_780] {strides = array<i32>} : memref<128x128xf32, #tpu.memory_space<vmem>>, vector<1x16xf32>,
        %swap3A_782 = vector.shape_cast %swap3A_781 : vector<1x16xf32> to vector<16xf32>
        %swap3A_783 = vector.shape_cast %mul3A_778 : vector<16xf32> to vector<1x16xf32>
        tpu.vector_store %arg11[%swap3A_779, %swap3A_780], %swap3A_783 {strides = array<i32>} : memref<128x128xf32, #tpu.memory_space<vmem>>, vector<1x16xf32>,
        %get3A_784 = arith.index_cast %add3A_753 : i32 to index
        %get3A_785 = arith.constant 48 : index
        %get3A_786 = tpu.vector_load %arg11[%get3A_784, %get3A_785] {strides = array<i32>} : memref<128x128xf32, #tpu.memory_space<vmem>>, vector<1x16xf32>,
        %get3A_787 = vector.shape_cast %get3A_786 : vector<1x16xf32> to vector<16xf32>
        %mul3A_788 = arith.mulf %get3A_787, %gather3A_749 : vector<16xf32>
        %swap3A_789 = arith.index_cast %add3A_753 : i32 to index
        %swap3A_790 = arith.constant 48 : index
        %swap3A_791 = tpu.vector_load %arg11[%swap3A_789, %swap3A_790] {strides = array<i32>} : memref<128x128xf32, #tpu.memory_space<vmem>>, vector<1x16xf32>,
        %swap3A_792 = vector.shape_cast %swap3A_791 : vector<1x16xf32> to vector<16xf32>
        %swap3A_793 = vector.shape_cast %mul3A_788 : vector<16xf32> to vector<1x16xf32>
        tpu.vector_store %arg11[%swap3A_789, %swap3A_790], %swap3A_793 {strides = array<i32>} : memref<128x128xf32, #tpu.memory_space<vmem>>, vector<1x16xf32>,
        %get3A_794 = arith.index_cast %add3A_753 : i32 to index
        %get3A_795 = arith.constant 64 : index
        %get3A_796 = tpu.vector_load %arg11[%get3A_794, %get3A_795] {strides = array<i32>} : memref<128x128xf32, #tpu.memory_space<vmem>>, vector<1x16xf32>,
        %get3A_797 = vector.shape_cast %get3A_796 : vector<1x16xf32> to vector<16xf32>
        %mul3A_798 = arith.mulf %get3A_797, %gather3A_749 : vector<16xf32>
        %swap3A_799 = arith.index_cast %add3A_753 : i32 to index
        %swap3A_800 = arith.constant 64 : index
        %swap3A_801 = tpu.vector_load %arg11[%swap3A_799, %swap3A_800] {strides = array<i32>} : memref<128x128xf32, #tpu.memory_space<vmem>>, vector<1x16xf32>,
        %swap3A_802 = vector.shape_cast %swap3A_801 : vector<1x16xf32> to vector<16xf32>
        %swap3A_803 = vector.shape_cast %mul3A_798 : vector<16xf32> to vector<1x16xf32>
        tpu.vector_store %arg11[%swap3A_799, %swap3A_800], %swap3A_803 {strides = array<i32>} : memref<128x128xf32, #tpu.memory_space<vmem>>, vector<1x16xf32>,
        %get3A_804 = arith.index_cast %add3A_753 : i32 to index
        %get3A_805 = arith.constant 80 : index
        %get3A_806 = tpu.vector_load %arg11[%get3A_804, %get3A_805] {strides = array<i32>} : memref<128x128xf32, #tpu.memory_space<vmem>>, vector<1x16xf32>,
        %get3A_807 = vector.shape_cast %get3A_806 : vector<1x16xf32> to vector<16xf32>
        %mul3A_808 = arith.mulf %get3A_807, %gather3A_749 : vector<16xf32>
        %swap3A_809 = arith.index_cast %add3A_753 : i32 to index
        %swap3A_810 = arith.constant 80 : index
        %swap3A_811 = tpu.vector_load %arg11[%swap3A_809, %swap3A_810] {strides = array<i32>} : memref<128x128xf32, #tpu.memory_space<vmem>>, vector<1x16xf32>,
        %swap3A_812 = vector.shape_cast %swap3A_811 : vector<1x16xf32> to vector<16xf32>
        %swap3A_813 = vector.shape_cast %mul3A_808 : vector<16xf32> to vector<1x16xf32>
        tpu.vector_store %arg11[%swap3A_809, %swap3A_810], %swap3A_813 {strides = array<i32>} : memref<128x128xf32, #tpu.memory_space<vmem>>, vector<1x16xf32>,
        %get3A_814 = arith.index_cast %add3A_753 : i32 to index
        %get3A_815 = arith.constant 96 : index
        %get3A_816 = tpu.vector_load %arg11[%get3A_814, %get3A_815] {strides = array<i32>} : memref<128x128xf32, #tpu.memory_space<vmem>>, vector<1x16xf32>,
        %get3A_817 = vector.shape_cast %get3A_816 : vector<1x16xf32> to vector<16xf32>
        %mul3A_818 = arith.mulf %get3A_817, %gather3A_749 : vector<16xf32>
        %swap3A_819 = arith.index_cast %add3A_753 : i32 to index
        %swap3A_820 = arith.constant 96 : index
        %swap3A_821 = tpu.vector_load %arg11[%swap3A_819, %swap3A_820] {strides = array<i32>} : memref<128x128xf32, #tpu.memory_space<vmem>>, vector<1x16xf32>,
        %swap3A_822 = vector.shape_cast %swap3A_821 : vector<1x16xf32> to vector<16xf32>
        %swap3A_823 = vector.shape_cast %mul3A_818 : vector<16xf32> to vector<1x16xf32>
        tpu.vector_store %arg11[%swap3A_819, %swap3A_820], %swap3A_823 {strides = array<i32>} : memref<128x128xf32, #tpu.memory_space<vmem>>, vector<1x16xf32>,
        %get3A_824 = arith.index_cast %add3A_753 : i32 to index
        %get3A_825 = arith.constant 112 : index
        %get3A_826 = tpu.vector_load %arg11[%get3A_824, %get3A_825] {strides = array<i32>} : memref<128x128xf32, #tpu.memory_space<vmem>>, vector<1x16xf32>,
        %get3A_827 = vector.shape_cast %get3A_826 : vector<1x16xf32> to vector<16xf32>
        %mul3A_828 = arith.mulf %get3A_827, %gather3A_749 : vector<16xf32>
        %swap3A_829 = arith.index_cast %add3A_753 : i32 to index
        %swap3A_830 = arith.constant 112 : index
        %swap3A_831 = tpu.vector_load %arg11[%swap3A_829, %swap3A_830] {strides = array<i32>} : memref<128x128xf32, #tpu.memory_space<vmem>>, vector<1x16xf32>,
        %swap3A_832 = vector.shape_cast %swap3A_831 : vector<1x16xf32> to vector<16xf32>
        %swap3A_833 = vector.shape_cast %mul3A_828 : vector<16xf32> to vector<1x16xf32>
        tpu.vector_store %arg11[%swap3A_829, %swap3A_830], %swap3A_833 {strides = array<i32>} : memref<128x128xf32, #tpu.memory_space<vmem>>, vector<1x16xf32>,
        %broadcast_in_dim3A_834 = arith.constant 9 : i32
        %broadcast_in_dim3A_835 = vector.broadcast %broadcast_in_dim3A_834 : i32 to vector<16xi32>
        %broadcast_in_dim3A_836 = vector.shape_cast %broadcast_in_dim3A_835 : vector<16xi32> to vector<16x1xi32>
        %gather3A_837 = vector.shape_cast %broadcast_in_dim3A_836 : vector<16x1xi32> to vector<16xi32>
        %gather3A_838 = tpu.dynamic_gather %get3A_35[%gather3A_837] in [0] : vector<16xf32>, vector<16xi32> -> vector<16xf32>
        %mul3A_839 = arith.constant 16 : i32
        %mul3A_840 = arith.muli %scan3A_30, %mul3A_839 : i32
        %add3A_841 = arith.constant 9 : i32
        %add3A_842 = arith.addi %mul3A_840, %add3A_841 : i32
        %get3A_843 = arith.index_cast %add3A_842 : i32 to index
        %get3A_844 = arith.constant 0 : index
        %get3A_845 = tpu.vector_load %arg11[%get3A_843, %get3A_844] {strides = array<i32>} : memref<128x128xf32, #tpu.memory_space<vmem>>, vector<1x16xf32>,
        %get3A_846 = vector.shape_cast %get3A_845 : vector<1x16xf32> to vector<16xf32>
        %mul3A_847 = arith.mulf %get3A_846, %gather3A_838 : vector<16xf32>
        %swap3A_848 = arith.index_cast %add3A_842 : i32 to index
        %swap3A_849 = arith.constant 0 : index
        %swap3A_850 = tpu.vector_load %arg11[%swap3A_848, %swap3A_849] {strides = array<i32>} : memref<128x128xf32, #tpu.memory_space<vmem>>, vector<1x16xf32>,
        %swap3A_851 = vector.shape_cast %swap3A_850 : vector<1x16xf32> to vector<16xf32>
        %swap3A_852 = vector.shape_cast %mul3A_847 : vector<16xf32> to vector<1x16xf32>
        tpu.vector_store %arg11[%swap3A_848, %swap3A_849], %swap3A_852 {strides = array<i32>} : memref<128x128xf32, #tpu.memory_space<vmem>>, vector<1x16xf32>,
        %get3A_853 = arith.index_cast %add3A_842 : i32 to index
        %get3A_854 = arith.constant 16 : index
        %get3A_855 = tpu.vector_load %arg11[%get3A_853, %get3A_854] {strides = array<i32>} : memref<128x128xf32, #tpu.memory_space<vmem>>, vector<1x16xf32>,
        %get3A_856 = vector.shape_cast %get3A_855 : vector<1x16xf32> to vector<16xf32>
        %mul3A_857 = arith.mulf %get3A_856, %gather3A_838 : vector<16xf32>
        %swap3A_858 = arith.index_cast %add3A_842 : i32 to index
        %swap3A_859 = arith.constant 16 : index
        %swap3A_860 = tpu.vector_load %arg11[%swap3A_858, %swap3A_859] {strides = array<i32>} : memref<128x128xf32, #tpu.memory_space<vmem>>, vector<1x16xf32>,
        %swap3A_861 = vector.shape_cast %swap3A_860 : vector<1x16xf32> to vector<16xf32>
        %swap3A_862 = vector.shape_cast %mul3A_857 : vector<16xf32> to vector<1x16xf32>
        tpu.vector_store %arg11[%swap3A_858, %swap3A_859], %swap3A_862 {strides = array<i32>} : memref<128x128xf32, #tpu.memory_space<vmem>>, vector<1x16xf32>,
        %get3A_863 = arith.index_cast %add3A_842 : i32 to index
        %get3A_864 = arith.constant 32 : index
        %get3A_865 = tpu.vector_load %arg11[%get3A_863, %get3A_864] {strides = array<i32>} : memref<128x128xf32, #tpu.memory_space<vmem>>, vector<1x16xf32>,
        %get3A_866 = vector.shape_cast %get3A_865 : vector<1x16xf32> to vector<16xf32>
        %mul3A_867 = arith.mulf %get3A_866, %gather3A_838 : vector<16xf32>
        %swap3A_868 = arith.index_cast %add3A_842 : i32 to index
        %swap3A_869 = arith.constant 32 : index
        %swap3A_870 = tpu.vector_load %arg11[%swap3A_868, %swap3A_869] {strides = array<i32>} : memref<128x128xf32, #tpu.memory_space<vmem>>, vector<1x16xf32>,
        %swap3A_871 = vector.shape_cast %swap3A_870 : vector<1x16xf32> to vector<16xf32>
        %swap3A_872 = vector.shape_cast %mul3A_867 : vector<16xf32> to vector<1x16xf32>
        tpu.vector_store %arg11[%swap3A_868, %swap3A_869], %swap3A_872 {strides = array<i32>} : memref<128x128xf32, #tpu.memory_space<vmem>>, vector<1x16xf32>,
        %get3A_873 = arith.index_cast %add3A_842 : i32 to index
        %get3A_874 = arith.constant 48 : index
        %get3A_875 = tpu.vector_load %arg11[%get3A_873, %get3A_874] {strides = array<i32>} : memref<128x128xf32, #tpu.memory_space<vmem>>, vector<1x16xf32>,
        %get3A_876 = vector.shape_cast %get3A_875 : vector<1x16xf32> to vector<16xf32>
        %mul3A_877 = arith.mulf %get3A_876, %gather3A_838 : vector<16xf32>
        %swap3A_878 = arith.index_cast %add3A_842 : i32 to index
        %swap3A_879 = arith.constant 48 : index
        %swap3A_880 = tpu.vector_load %arg11[%swap3A_878, %swap3A_879] {strides = array<i32>} : memref<128x128xf32, #tpu.memory_space<vmem>>, vector<1x16xf32>,
        %swap3A_881 = vector.shape_cast %swap3A_880 : vector<1x16xf32> to vector<16xf32>
        %swap3A_882 = vector.shape_cast %mul3A_877 : vector<16xf32> to vector<1x16xf32>
        tpu.vector_store %arg11[%swap3A_878, %swap3A_879], %swap3A_882 {strides = array<i32>} : memref<128x128xf32, #tpu.memory_space<vmem>>, vector<1x16xf32>,
        %get3A_883 = arith.index_cast %add3A_842 : i32 to index
        %get3A_884 = arith.constant 64 : index
        %get3A_885 = tpu.vector_load %arg11[%get3A_883, %get3A_884] {strides = array<i32>} : memref<128x128xf32, #tpu.memory_space<vmem>>, vector<1x16xf32>,
        %get3A_886 = vector.shape_cast %get3A_885 : vector<1x16xf32> to vector<16xf32>
        %mul3A_887 = arith.mulf %get3A_886, %gather3A_838 : vector<16xf32>
        %swap3A_888 = arith.index_cast %add3A_842 : i32 to index
        %swap3A_889 = arith.constant 64 : index
        %swap3A_890 = tpu.vector_load %arg11[%swap3A_888, %swap3A_889] {strides = array<i32>} : memref<128x128xf32, #tpu.memory_space<vmem>>, vector<1x16xf32>,
        %swap3A_891 = vector.shape_cast %swap3A_890 : vector<1x16xf32> to vector<16xf32>
        %swap3A_892 = vector.shape_cast %mul3A_887 : vector<16xf32> to vector<1x16xf32>
        tpu.vector_store %arg11[%swap3A_888, %swap3A_889], %swap3A_892 {strides = array<i32>} : memref<128x128xf32, #tpu.memory_space<vmem>>, vector<1x16xf32>,
        %get3A_893 = arith.index_cast %add3A_842 : i32 to index
        %get3A_894 = arith.constant 80 : index
        %get3A_895 = tpu.vector_load %arg11[%get3A_893, %get3A_894] {strides = array<i32>} : memref<128x128xf32, #tpu.memory_space<vmem>>, vector<1x16xf32>,
        %get3A_896 = vector.shape_cast %get3A_895 : vector<1x16xf32> to vector<16xf32>
        %mul3A_897 = arith.mulf %get3A_896, %gather3A_838 : vector<16xf32>
        %swap3A_898 = arith.index_cast %add3A_842 : i32 to index
        %swap3A_899 = arith.constant 80 : index
        %swap3A_900 = tpu.vector_load %arg11[%swap3A_898, %swap3A_899] {strides = array<i32>} : memref<128x128xf32, #tpu.memory_space<vmem>>, vector<1x16xf32>,
        %swap3A_901 = vector.shape_cast %swap3A_900 : vector<1x16xf32> to vector<16xf32>
        %swap3A_902 = vector.shape_cast %mul3A_897 : vector<16xf32> to vector<1x16xf32>
        tpu.vector_store %arg11[%swap3A_898, %swap3A_899], %swap3A_902 {strides = array<i32>} : memref<128x128xf32, #tpu.memory_space<vmem>>, vector<1x16xf32>,
        %get3A_903 = arith.index_cast %add3A_842 : i32 to index
        %get3A_904 = arith.constant 96 : index
        %get3A_905 = tpu.vector_load %arg11[%get3A_903, %get3A_904] {strides = array<i32>} : memref<128x128xf32, #tpu.memory_space<vmem>>, vector<1x16xf32>,
        %get3A_906 = vector.shape_cast %get3A_905 : vector<1x16xf32> to vector<16xf32>
        %mul3A_907 = arith.mulf %get3A_906, %gather3A_838 : vector<16xf32>
        %swap3A_908 = arith.index_cast %add3A_842 : i32 to index
        %swap3A_909 = arith.constant 96 : index
        %swap3A_910 = tpu.vector_load %arg11[%swap3A_908, %swap3A_909] {strides = array<i32>} : memref<128x128xf32, #tpu.memory_space<vmem>>, vector<1x16xf32>,
        %swap3A_911 = vector.shape_cast %swap3A_910 : vector<1x16xf32> to vector<16xf32>
        %swap3A_912 = vector.shape_cast %mul3A_907 : vector<16xf32> to vector<1x16xf32>
        tpu.vector_store %arg11[%swap3A_908, %swap3A_909], %swap3A_912 {strides = array<i32>} : memref<128x128xf32, #tpu.memory_space<vmem>>, vector<1x16xf32>,
        %get3A_913 = arith.index_cast %add3A_842 : i32 to index
        %get3A_914 = arith.constant 112 : index
        %get3A_915 = tpu.vector_load %arg11[%get3A_913, %get3A_914] {strides = array<i32>} : memref<128x128xf32, #tpu.memory_space<vmem>>, vector<1x16xf32>,
        %get3A_916 = vector.shape_cast %get3A_915 : vector<1x16xf32> to vector<16xf32>
        %mul3A_917 = arith.mulf %get3A_916, %gather3A_838 : vector<16xf32>
        %swap3A_918 = arith.index_cast %add3A_842 : i32 to index
        %swap3A_919 = arith.constant 112 : index
        %swap3A_920 = tpu.vector_load %arg11[%swap3A_918, %swap3A_919] {strides = array<i32>} : memref<128x128xf32, #tpu.memory_space<vmem>>, vector<1x16xf32>,
        %swap3A_921 = vector.shape_cast %swap3A_920 : vector<1x16xf32> to vector<16xf32>
        %swap3A_922 = vector.shape_cast %mul3A_917 : vector<16xf32> to vector<1x16xf32>
        tpu.vector_store %arg11[%swap3A_918, %swap3A_919], %swap3A_922 {strides = array<i32>} : memref<128x128xf32, #tpu.memory_space<vmem>>, vector<1x16xf32>,
        %broadcast_in_dim3A_923 = arith.constant 10 : i32
        %broadcast_in_dim3A_924 = vector.broadcast %broadcast_in_dim3A_923 : i32 to vector<16xi32>
        %broadcast_in_dim3A_925 = vector.shape_cast %broadcast_in_dim3A_924 : vector<16xi32> to vector<16x1xi32>
        %gather3A_926 = vector.shape_cast %broadcast_in_dim3A_925 : vector<16x1xi32> to vector<16xi32>
        %gather3A_927 = tpu.dynamic_gather %get3A_35[%gather3A_926] in [0] : vector<16xf32>, vector<16xi32> -> vector<16xf32>
        %mul3A_928 = arith.constant 16 : i32
        %mul3A_929 = arith.muli %scan3A_30, %mul3A_928 : i32
        %add3A_930 = arith.constant 10 : i32
        %add3A_931 = arith.addi %mul3A_929, %add3A_930 : i32
        %get3A_932 = arith.index_cast %add3A_931 : i32 to index
        %get3A_933 = arith.constant 0 : index
        %get3A_934 = tpu.vector_load %arg11[%get3A_932, %get3A_933] {strides = array<i32>} : memref<128x128xf32, #tpu.memory_space<vmem>>, vector<1x16xf32>,
        %get3A_935 = vector.shape_cast %get3A_934 : vector<1x16xf32> to vector<16xf32>
        %mul3A_936 = arith.mulf %get3A_935, %gather3A_927 : vector<16xf32>
        %swap3A_937 = arith.index_cast %add3A_931 : i32 to index
        %swap3A_938 = arith.constant 0 : index
        %swap3A_939 = tpu.vector_load %arg11[%swap3A_937, %swap3A_938] {strides = array<i32>} : memref<128x128xf32, #tpu.memory_space<vmem>>, vector<1x16xf32>,
        %swap3A_940 = vector.shape_cast %swap3A_939 : vector<1x16xf32> to vector<16xf32>
        %swap3A_941 = vector.shape_cast %mul3A_936 : vector<16xf32> to vector<1x16xf32>
        tpu.vector_store %arg11[%swap3A_937, %swap3A_938], %swap3A_941 {strides = array<i32>} : memref<128x128xf32, #tpu.memory_space<vmem>>, vector<1x16xf32>,
        %get3A_942 = arith.index_cast %add3A_931 : i32 to index
        %get3A_943 = arith.constant 16 : index
        %get3A_944 = tpu.vector_load %arg11[%get3A_942, %get3A_943] {strides = array<i32>} : memref<128x128xf32, #tpu.memory_space<vmem>>, vector<1x16xf32>,
        %get3A_945 = vector.shape_cast %get3A_944 : vector<1x16xf32> to vector<16xf32>
        %mul3A_946 = arith.mulf %get3A_945, %gather3A_927 : vector<16xf32>
        %swap3A_947 = arith.index_cast %add3A_931 : i32 to index
        %swap3A_948 = arith.constant 16 : index
        %swap3A_949 = tpu.vector_load %arg11[%swap3A_947, %swap3A_948] {strides = array<i32>} : memref<128x128xf32, #tpu.memory_space<vmem>>, vector<1x16xf32>,
        %swap3A_950 = vector.shape_cast %swap3A_949 : vector<1x16xf32> to vector<16xf32>
        %swap3A_951 = vector.shape_cast %mul3A_946 : vector<16xf32> to vector<1x16xf32>
        tpu.vector_store %arg11[%swap3A_947, %swap3A_948], %swap3A_951 {strides = array<i32>} : memref<128x128xf32, #tpu.memory_space<vmem>>, vector<1x16xf32>,
        %get3A_952 = arith.index_cast %add3A_931 : i32 to index
        %get3A_953 = arith.constant 32 : index
        %get3A_954 = tpu.vector_load %arg11[%get3A_952, %get3A_953] {strides = array<i32>} : memref<128x128xf32, #tpu.memory_space<vmem>>, vector<1x16xf32>,
        %get3A_955 = vector.shape_cast %get3A_954 : vector<1x16xf32> to vector<16xf32>
        %mul3A_956 = arith.mulf %get3A_955, %gather3A_927 : vector<16xf32>
        %swap3A_957 = arith.index_cast %add3A_931 : i32 to index
        %swap3A_958 = arith.constant 32 : index
        %swap3A_959 = tpu.vector_load %arg11[%swap3A_957, %swap3A_958] {strides = array<i32>} : memref<128x128xf32, #tpu.memory_space<vmem>>, vector<1x16xf32>,
        %swap3A_960 = vector.shape_cast %swap3A_959 : vector<1x16xf32> to vector<16xf32>
        %swap3A_961 = vector.shape_cast %mul3A_956 : vector<16xf32> to vector<1x16xf32>
        tpu.vector_store %arg11[%swap3A_957, %swap3A_958], %swap3A_961 {strides = array<i32>} : memref<128x128xf32, #tpu.memory_space<vmem>>, vector<1x16xf32>,
        %get3A_962 = arith.index_cast %add3A_931 : i32 to index
        %get3A_963 = arith.constant 48 : index
        %get3A_964 = tpu.vector_load %arg11[%get3A_962, %get3A_963] {strides = array<i32>} : memref<128x128xf32, #tpu.memory_space<vmem>>, vector<1x16xf32>,
        %get3A_965 = vector.shape_cast %get3A_964 : vector<1x16xf32> to vector<16xf32>
        %mul3A_966 = arith.mulf %get3A_965, %gather3A_927 : vector<16xf32>
        %swap3A_967 = arith.index_cast %add3A_931 : i32 to index
        %swap3A_968 = arith.constant 48 : index
        %swap3A_969 = tpu.vector_load %arg11[%swap3A_967, %swap3A_968] {strides = array<i32>} : memref<128x128xf32, #tpu.memory_space<vmem>>, vector<1x16xf32>,
        %swap3A_970 = vector.shape_cast %swap3A_969 : vector<1x16xf32> to vector<16xf32>
        %swap3A_971 = vector.shape_cast %mul3A_966 : vector<16xf32> to vector<1x16xf32>
        tpu.vector_store %arg11[%swap3A_967, %swap3A_968], %swap3A_971 {strides = array<i32>} : memref<128x128xf32, #tpu.memory_space<vmem>>, vector<1x16xf32>,
        %get3A_972 = arith.index_cast %add3A_931 : i32 to index
        %get3A_973 = arith.constant 64 : index
        %get3A_974 = tpu.vector_load %arg11[%get3A_972, %get3A_973] {strides = array<i32>} : memref<128x128xf32, #tpu.memory_space<vmem>>, vector<1x16xf32>,
        %get3A_975 = vector.shape_cast %get3A_974 : vector<1x16xf32> to vector<16xf32>
        %mul3A_976 = arith.mulf %get3A_975, %gather3A_927 : vector<16xf32>
        %swap3A_977 = arith.index_cast %add3A_931 : i32 to index
        %swap3A_978 = arith.constant 64 : index
        %swap3A_979 = tpu.vector_load %arg11[%swap3A_977, %swap3A_978] {strides = array<i32>} : memref<128x128xf32, #tpu.memory_space<vmem>>, vector<1x16xf32>,
        %swap3A_980 = vector.shape_cast %swap3A_979 : vector<1x16xf32> to vector<16xf32>
        %swap3A_981 = vector.shape_cast %mul3A_976 : vector<16xf32> to vector<1x16xf32>
        tpu.vector_store %arg11[%swap3A_977, %swap3A_978], %swap3A_981 {strides = array<i32>} : memref<128x128xf32, #tpu.memory_space<vmem>>, vector<1x16xf32>,
        %get3A_982 = arith.index_cast %add3A_931 : i32 to index
        %get3A_983 = arith.constant 80 : index
        %get3A_984 = tpu.vector_load %arg11[%get3A_982, %get3A_983] {strides = array<i32>} : memref<128x128xf32, #tpu.memory_space<vmem>>, vector<1x16xf32>,
        %get3A_985 = vector.shape_cast %get3A_984 : vector<1x16xf32> to vector<16xf32>
        %mul3A_986 = arith.mulf %get3A_985, %gather3A_927 : vector<16xf32>
        %swap3A_987 = arith.index_cast %add3A_931 : i32 to index
        %swap3A_988 = arith.constant 80 : index
        %swap3A_989 = tpu.vector_load %arg11[%swap3A_987, %swap3A_988] {strides = array<i32>} : memref<128x128xf32, #tpu.memory_space<vmem>>, vector<1x16xf32>,
        %swap3A_990 = vector.shape_cast %swap3A_989 : vector<1x16xf32> to vector<16xf32>
        %swap3A_991 = vector.shape_cast %mul3A_986 : vector<16xf32> to vector<1x16xf32>
        tpu.vector_store %arg11[%swap3A_987, %swap3A_988], %swap3A_991 {strides = array<i32>} : memref<128x128xf32, #tpu.memory_space<vmem>>, vector<1x16xf32>,
        %get3A_992 = arith.index_cast %add3A_931 : i32 to index
        %get3A_993 = arith.constant 96 : index
        %get3A_994 = tpu.vector_load %arg11[%get3A_992, %get3A_993] {strides = array<i32>} : memref<128x128xf32, #tpu.memory_space<vmem>>, vector<1x16xf32>,
        %get3A_995 = vector.shape_cast %get3A_994 : vector<1x16xf32> to vector<16xf32>
        %mul3A_996 = arith.mulf %get3A_995, %gather3A_927 : vector<16xf32>
        %swap3A_997 = arith.index_cast %add3A_931 : i32 to index
        %swap3A_998 = arith.constant 96 : index
        %swap3A_999 = tpu.vector_load %arg11[%swap3A_997, %swap3A_998] {strides = array<i32>} : memref<128x128xf32, #tpu.memory_space<vmem>>, vector<1x16xf32>,
        %swap3A_1000 = vector.shape_cast %swap3A_999 : vector<1x16xf32> to vector<16xf32>
        %swap3A_1001 = vector.shape_cast %mul3A_996 : vector<16xf32> to vector<1x16xf32>
        tpu.vector_store %arg11[%swap3A_997, %swap3A_998], %swap3A_1001 {strides = array<i32>} : memref<128x128xf32, #tpu.memory_space<vmem>>, vector<1x16xf32>,
        %get3A_1002 = arith.index_cast %add3A_931 : i32 to index
        %get3A_1003 = arith.constant 112 : index
        %get3A_1004 = tpu.vector_load %arg11[%get3A_1002, %get3A_1003] {strides = array<i32>} : memref<128x128xf32, #tpu.memory_space<vmem>>, vector<1x16xf32>,
        %get3A_1005 = vector.shape_cast %get3A_1004 : vector<1x16xf32> to vector<16xf32>
        %mul3A_1006 = arith.mulf %get3A_1005, %gather3A_927 : vector<16xf32>
        %swap3A_1007 = arith.index_cast %add3A_931 : i32 to index
        %swap3A_1008 = arith.constant 112 : index
        %swap3A_1009 = tpu.vector_load %arg11[%swap3A_1007, %swap3A_1008] {strides = array<i32>} : memref<128x128xf32, #tpu.memory_space<vmem>>, vector<1x16xf32>,
        %swap3A_1010 = vector.shape_cast %swap3A_1009 : vector<1x16xf32> to vector<16xf32>
        %swap3A_1011 = vector.shape_cast %mul3A_1006 : vector<16xf32> to vector<1x16xf32>
        tpu.vector_store %arg11[%swap3A_1007, %swap3A_1008], %swap3A_1011 {strides = array<i32>} : memref<128x128xf32, #tpu.memory_space<vmem>>, vector<1x16xf32>,
        %broadcast_in_dim3A_1012 = arith.constant 11 : i32
        %broadcast_in_dim3A_1013 = vector.broadcast %broadcast_in_dim3A_1012 : i32 to vector<16xi32>
        %broadcast_in_dim3A_1014 = vector.shape_cast %broadcast_in_dim3A_1013 : vector<16xi32> to vector<16x1xi32>
        %gather3A_1015 = vector.shape_cast %broadcast_in_dim3A_1014 : vector<16x1xi32> to vector<16xi32>
        %gather3A_1016 = tpu.dynamic_gather %get3A_35[%gather3A_1015] in [0] : vector<16xf32>, vector<16xi32> -> vector<16xf32>
        %mul3A_1017 = arith.constant 16 : i32
        %mul3A_1018 = arith.muli %scan3A_30, %mul3A_1017 : i32
        %add3A_1019 = arith.constant 11 : i32
        %add3A_1020 = arith.addi %mul3A_1018, %add3A_1019 : i32
        %get3A_1021 = arith.index_cast %add3A_1020 : i32 to index
        %get3A_1022 = arith.constant 0 : index
        %get3A_1023 = tpu.vector_load %arg11[%get3A_1021, %get3A_1022] {strides = array<i32>} : memref<128x128xf32, #tpu.memory_space<vmem>>, vector<1x16xf32>,
        %get3A_1024 = vector.shape_cast %get3A_1023 : vector<1x16xf32> to vector<16xf32>
        %mul3A_1025 = arith.mulf %get3A_1024, %gather3A_1016 : vector<16xf32>
        %swap3A_1026 = arith.index_cast %add3A_1020 : i32 to index
        %swap3A_1027 = arith.constant 0 : index
        %swap3A_1028 = tpu.vector_load %arg11[%swap3A_1026, %swap3A_1027] {strides = array<i32>} : memref<128x128xf32, #tpu.memory_space<vmem>>, vector<1x16xf32>,
        %swap3A_1029 = vector.shape_cast %swap3A_1028 : vector<1x16xf32> to vector<16xf32>
        %swap3A_1030 = vector.shape_cast %mul3A_1025 : vector<16xf32> to vector<1x16xf32>
        tpu.vector_store %arg11[%swap3A_1026, %swap3A_1027], %swap3A_1030 {strides = array<i32>} : memref<128x128xf32, #tpu.memory_space<vmem>>, vector<1x16xf32>,
        %get3A_1031 = arith.index_cast %add3A_1020 : i32 to index
        %get3A_1032 = arith.constant 16 : index
        %get3A_1033 = tpu.vector_load %arg11[%get3A_1031, %get3A_1032] {strides = array<i32>} : memref<128x128xf32, #tpu.memory_space<vmem>>, vector<1x16xf32>,
        %get3A_1034 = vector.shape_cast %get3A_1033 : vector<1x16xf32> to vector<16xf32>
        %mul3A_1035 = arith.mulf %get3A_1034, %gather3A_1016 : vector<16xf32>
        %swap3A_1036 = arith.index_cast %add3A_1020 : i32 to index
        %swap3A_1037 = arith.constant 16 : index
        %swap3A_1038 = tpu.vector_load %arg11[%swap3A_1036, %swap3A_1037] {strides = array<i32>} : memref<128x128xf32, #tpu.memory_space<vmem>>, vector<1x16xf32>,
        %swap3A_1039 = vector.shape_cast %swap3A_1038 : vector<1x16xf32> to vector<16xf32>
        %swap3A_1040 = vector.shape_cast %mul3A_1035 : vector<16xf32> to vector<1x16xf32>
        tpu.vector_store %arg11[%swap3A_1036, %swap3A_1037], %swap3A_1040 {strides = array<i32>} : memref<128x128xf32, #tpu.memory_space<vmem>>, vector<1x16xf32>,
        %get3A_1041 = arith.index_cast %add3A_1020 : i32 to index
        %get3A_1042 = arith.constant 32 : index
        %get3A_1043 = tpu.vector_load %arg11[%get3A_1041, %get3A_1042] {strides = array<i32>} : memref<128x128xf32, #tpu.memory_space<vmem>>, vector<1x16xf32>,
        %get3A_1044 = vector.shape_cast %get3A_1043 : vector<1x16xf32> to vector<16xf32>
        %mul3A_1045 = arith.mulf %get3A_1044, %gather3A_1016 : vector<16xf32>
        %swap3A_1046 = arith.index_cast %add3A_1020 : i32 to index
        %swap3A_1047 = arith.constant 32 : index
        %swap3A_1048 = tpu.vector_load %arg11[%swap3A_1046, %swap3A_1047] {strides = array<i32>} : memref<128x128xf32, #tpu.memory_space<vmem>>, vector<1x16xf32>,
        %swap3A_1049 = vector.shape_cast %swap3A_1048 : vector<1x16xf32> to vector<16xf32>
        %swap3A_1050 = vector.shape_cast %mul3A_1045 : vector<16xf32> to vector<1x16xf32>
        tpu.vector_store %arg11[%swap3A_1046, %swap3A_1047], %swap3A_1050 {strides = array<i32>} : memref<128x128xf32, #tpu.memory_space<vmem>>, vector<1x16xf32>,
        %get3A_1051 = arith.index_cast %add3A_1020 : i32 to index
        %get3A_1052 = arith.constant 48 : index
        %get3A_1053 = tpu.vector_load %arg11[%get3A_1051, %get3A_1052] {strides = array<i32>} : memref<128x128xf32, #tpu.memory_space<vmem>>, vector<1x16xf32>,
        %get3A_1054 = vector.shape_cast %get3A_1053 : vector<1x16xf32> to vector<16xf32>
        %mul3A_1055 = arith.mulf %get3A_1054, %gather3A_1016 : vector<16xf32>
        %swap3A_1056 = arith.index_cast %add3A_1020 : i32 to index
        %swap3A_1057 = arith.constant 48 : index
        %swap3A_1058 = tpu.vector_load %arg11[%swap3A_1056, %swap3A_1057] {strides = array<i32>} : memref<128x128xf32, #tpu.memory_space<vmem>>, vector<1x16xf32>,
        %swap3A_1059 = vector.shape_cast %swap3A_1058 : vector<1x16xf32> to vector<16xf32>
        %swap3A_1060 = vector.shape_cast %mul3A_1055 : vector<16xf32> to vector<1x16xf32>
        tpu.vector_store %arg11[%swap3A_1056, %swap3A_1057], %swap3A_1060 {strides = array<i32>} : memref<128x128xf32, #tpu.memory_space<vmem>>, vector<1x16xf32>,
        %get3A_1061 = arith.index_cast %add3A_1020 : i32 to index
        %get3A_1062 = arith.constant 64 : index
        %get3A_1063 = tpu.vector_load %arg11[%get3A_1061, %get3A_1062] {strides = array<i32>} : memref<128x128xf32, #tpu.memory_space<vmem>>, vector<1x16xf32>,
        %get3A_1064 = vector.shape_cast %get3A_1063 : vector<1x16xf32> to vector<16xf32>
        %mul3A_1065 = arith.mulf %get3A_1064, %gather3A_1016 : vector<16xf32>
        %swap3A_1066 = arith.index_cast %add3A_1020 : i32 to index
        %swap3A_1067 = arith.constant 64 : index
        %swap3A_1068 = tpu.vector_load %arg11[%swap3A_1066, %swap3A_1067] {strides = array<i32>} : memref<128x128xf32, #tpu.memory_space<vmem>>, vector<1x16xf32>,
        %swap3A_1069 = vector.shape_cast %swap3A_1068 : vector<1x16xf32> to vector<16xf32>
        %swap3A_1070 = vector.shape_cast %mul3A_1065 : vector<16xf32> to vector<1x16xf32>
        tpu.vector_store %arg11[%swap3A_1066, %swap3A_1067], %swap3A_1070 {strides = array<i32>} : memref<128x128xf32, #tpu.memory_space<vmem>>, vector<1x16xf32>,
        %get3A_1071 = arith.index_cast %add3A_1020 : i32 to index
        %get3A_1072 = arith.constant 80 : index
        %get3A_1073 = tpu.vector_load %arg11[%get3A_1071, %get3A_1072] {strides = array<i32>} : memref<128x128xf32, #tpu.memory_space<vmem>>, vector<1x16xf32>,
        %get3A_1074 = vector.shape_cast %get3A_1073 : vector<1x16xf32> to vector<16xf32>
        %mul3A_1075 = arith.mulf %get3A_1074, %gather3A_1016 : vector<16xf32>
        %swap3A_1076 = arith.index_cast %add3A_1020 : i32 to index
        %swap3A_1077 = arith.constant 80 : index
        %swap3A_1078 = tpu.vector_load %arg11[%swap3A_1076, %swap3A_1077] {strides = array<i32>} : memref<128x128xf32, #tpu.memory_space<vmem>>, vector<1x16xf32>,
        %swap3A_1079 = vector.shape_cast %swap3A_1078 : vector<1x16xf32> to vector<16xf32>
        %swap3A_1080 = vector.shape_cast %mul3A_1075 : vector<16xf32> to vector<1x16xf32>
        tpu.vector_store %arg11[%swap3A_1076, %swap3A_1077], %swap3A_1080 {strides = array<i32>} : memref<128x128xf32, #tpu.memory_space<vmem>>, vector<1x16xf32>,
        %get3A_1081 = arith.index_cast %add3A_1020 : i32 to index
        %get3A_1082 = arith.constant 96 : index
        %get3A_1083 = tpu.vector_load %arg11[%get3A_1081, %get3A_1082] {strides = array<i32>} : memref<128x128xf32, #tpu.memory_space<vmem>>, vector<1x16xf32>,
        %get3A_1084 = vector.shape_cast %get3A_1083 : vector<1x16xf32> to vector<16xf32>
        %mul3A_1085 = arith.mulf %get3A_1084, %gather3A_1016 : vector<16xf32>
        %swap3A_1086 = arith.index_cast %add3A_1020 : i32 to index
        %swap3A_1087 = arith.constant 96 : index
        %swap3A_1088 = tpu.vector_load %arg11[%swap3A_1086, %swap3A_1087] {strides = array<i32>} : memref<128x128xf32, #tpu.memory_space<vmem>>, vector<1x16xf32>,
        %swap3A_1089 = vector.shape_cast %swap3A_1088 : vector<1x16xf32> to vector<16xf32>
        %swap3A_1090 = vector.shape_cast %mul3A_1085 : vector<16xf32> to vector<1x16xf32>
        tpu.vector_store %arg11[%swap3A_1086, %swap3A_1087], %swap3A_1090 {strides = array<i32>} : memref<128x128xf32, #tpu.memory_space<vmem>>, vector<1x16xf32>,
        %get3A_1091 = arith.index_cast %add3A_1020 : i32 to index
        %get3A_1092 = arith.constant 112 : index
        %get3A_1093 = tpu.vector_load %arg11[%get3A_1091, %get3A_1092] {strides = array<i32>} : memref<128x128xf32, #tpu.memory_space<vmem>>, vector<1x16xf32>,
        %get3A_1094 = vector.shape_cast %get3A_1093 : vector<1x16xf32> to vector<16xf32>
        %mul3A_1095 = arith.mulf %get3A_1094, %gather3A_1016 : vector<16xf32>
        %swap3A_1096 = arith.index_cast %add3A_1020 : i32 to index
        %swap3A_1097 = arith.constant 112 : index
        %swap3A_1098 = tpu.vector_load %arg11[%swap3A_1096, %swap3A_1097] {strides = array<i32>} : memref<128x128xf32, #tpu.memory_space<vmem>>, vector<1x16xf32>,
        %swap3A_1099 = vector.shape_cast %swap3A_1098 : vector<1x16xf32> to vector<16xf32>
        %swap3A_1100 = vector.shape_cast %mul3A_1095 : vector<16xf32> to vector<1x16xf32>
        tpu.vector_store %arg11[%swap3A_1096, %swap3A_1097], %swap3A_1100 {strides = array<i32>} : memref<128x128xf32, #tpu.memory_space<vmem>>, vector<1x16xf32>,
        %broadcast_in_dim3A_1101 = arith.constant 12 : i32
        %broadcast_in_dim3A_1102 = vector.broadcast %broadcast_in_dim3A_1101 : i32 to vector<16xi32>
        %broadcast_in_dim3A_1103 = vector.shape_cast %broadcast_in_dim3A_1102 : vector<16xi32> to vector<16x1xi32>
        %gather3A_1104 = vector.shape_cast %broadcast_in_dim3A_1103 : vector<16x1xi32> to vector<16xi32>
        %gather3A_1105 = tpu.dynamic_gather %get3A_35[%gather3A_1104] in [0] : vector<16xf32>, vector<16xi32> -> vector<16xf32>
        %mul3A_1106 = arith.constant 16 : i32
        %mul3A_1107 = arith.muli %scan3A_30, %mul3A_1106 : i32
        %add3A_1108 = arith.constant 12 : i32
        %add3A_1109 = arith.addi %mul3A_1107, %add3A_1108 : i32
        %get3A_1110 = arith.index_cast %add3A_1109 : i32 to index
        %get3A_1111 = arith.constant 0 : index
        %get3A_1112 = tpu.vector_load %arg11[%get3A_1110, %get3A_1111] {strides = array<i32>} : memref<128x128xf32, #tpu.memory_space<vmem>>, vector<1x16xf32>,
        %get3A_1113 = vector.shape_cast %get3A_1112 : vector<1x16xf32> to vector<16xf32>
        %mul3A_1114 = arith.mulf %get3A_1113, %gather3A_1105 : vector<16xf32>
        %swap3A_1115 = arith.index_cast %add3A_1109 : i32 to index
        %swap3A_1116 = arith.constant 0 : index
        %swap3A_1117 = tpu.vector_load %arg11[%swap3A_1115, %swap3A_1116] {strides = array<i32>} : memref<128x128xf32, #tpu.memory_space<vmem>>, vector<1x16xf32>,
        %swap3A_1118 = vector.shape_cast %swap3A_1117 : vector<1x16xf32> to vector<16xf32>
        %swap3A_1119 = vector.shape_cast %mul3A_1114 : vector<16xf32> to vector<1x16xf32>
        tpu.vector_store %arg11[%swap3A_1115, %swap3A_1116], %swap3A_1119 {strides = array<i32>} : memref<128x128xf32, #tpu.memory_space<vmem>>, vector<1x16xf32>,
        %get3A_1120 = arith.index_cast %add3A_1109 : i32 to index
        %get3A_1121 = arith.constant 16 : index
        %get3A_1122 = tpu.vector_load %arg11[%get3A_1120, %get3A_1121] {strides = array<i32>} : memref<128x128xf32, #tpu.memory_space<vmem>>, vector<1x16xf32>,
        %get3A_1123 = vector.shape_cast %get3A_1122 : vector<1x16xf32> to vector<16xf32>
        %mul3A_1124 = arith.mulf %get3A_1123, %gather3A_1105 : vector<16xf32>
        %swap3A_1125 = arith.index_cast %add3A_1109 : i32 to index
        %swap3A_1126 = arith.constant 16 : index
        %swap3A_1127 = tpu.vector_load %arg11[%swap3A_1125, %swap3A_1126] {strides = array<i32>} : memref<128x128xf32, #tpu.memory_space<vmem>>, vector<1x16xf32>,
        %swap3A_1128 = vector.shape_cast %swap3A_1127 : vector<1x16xf32> to vector<16xf32>
        %swap3A_1129 = vector.shape_cast %mul3A_1124 : vector<16xf32> to vector<1x16xf32>
        tpu.vector_store %arg11[%swap3A_1125, %swap3A_1126], %swap3A_1129 {strides = array<i32>} : memref<128x128xf32, #tpu.memory_space<vmem>>, vector<1x16xf32>,
        %get3A_1130 = arith.index_cast %add3A_1109 : i32 to index
        %get3A_1131 = arith.constant 32 : index
        %get3A_1132 = tpu.vector_load %arg11[%get3A_1130, %get3A_1131] {strides = array<i32>} : memref<128x128xf32, #tpu.memory_space<vmem>>, vector<1x16xf32>,
        %get3A_1133 = vector.shape_cast %get3A_1132 : vector<1x16xf32> to vector<16xf32>
        %mul3A_1134 = arith.mulf %get3A_1133, %gather3A_1105 : vector<16xf32>
        %swap3A_1135 = arith.index_cast %add3A_1109 : i32 to index
        %swap3A_1136 = arith.constant 32 : index
        %swap3A_1137 = tpu.vector_load %arg11[%swap3A_1135, %swap3A_1136] {strides = array<i32>} : memref<128x128xf32, #tpu.memory_space<vmem>>, vector<1x16xf32>,
        %swap3A_1138 = vector.shape_cast %swap3A_1137 : vector<1x16xf32> to vector<16xf32>
        %swap3A_1139 = vector.shape_cast %mul3A_1134 : vector<16xf32> to vector<1x16xf32>
        tpu.vector_store %arg11[%swap3A_1135, %swap3A_1136], %swap3A_1139 {strides = array<i32>} : memref<128x128xf32, #tpu.memory_space<vmem>>, vector<1x16xf32>,
        %get3A_1140 = arith.index_cast %add3A_1109 : i32 to index
        %get3A_1141 = arith.constant 48 : index
        %get3A_1142 = tpu.vector_load %arg11[%get3A_1140, %get3A_1141] {strides = array<i32>} : memref<128x128xf32, #tpu.memory_space<vmem>>, vector<1x16xf32>,
        %get3A_1143 = vector.shape_cast %get3A_1142 : vector<1x16xf32> to vector<16xf32>
        %mul3A_1144 = arith.mulf %get3A_1143, %gather3A_1105 : vector<16xf32>
        %swap3A_1145 = arith.index_cast %add3A_1109 : i32 to index
        %swap3A_1146 = arith.constant 48 : index
        %swap3A_1147 = tpu.vector_load %arg11[%swap3A_1145, %swap3A_1146] {strides = array<i32>} : memref<128x128xf32, #tpu.memory_space<vmem>>, vector<1x16xf32>,
        %swap3A_1148 = vector.shape_cast %swap3A_1147 : vector<1x16xf32> to vector<16xf32>
        %swap3A_1149 = vector.shape_cast %mul3A_1144 : vector<16xf32> to vector<1x16xf32>
        tpu.vector_store %arg11[%swap3A_1145, %swap3A_1146], %swap3A_1149 {strides = array<i32>} : memref<128x128xf32, #tpu.memory_space<vmem>>, vector<1x16xf32>,
        %get3A_1150 = arith.index_cast %add3A_1109 : i32 to index
        %get3A_1151 = arith.constant 64 : index
        %get3A_1152 = tpu.vector_load %arg11[%get3A_1150, %get3A_1151] {strides = array<i32>} : memref<128x128xf32, #tpu.memory_space<vmem>>, vector<1x16xf32>,
        %get3A_1153 = vector.shape_cast %get3A_1152 : vector<1x16xf32> to vector<16xf32>
        %mul3A_1154 = arith.mulf %get3A_1153, %gather3A_1105 : vector<16xf32>
        %swap3A_1155 = arith.index_cast %add3A_1109 : i32 to index
        %swap3A_1156 = arith.constant 64 : index
        %swap3A_1157 = tpu.vector_load %arg11[%swap3A_1155, %swap3A_1156] {strides = array<i32>} : memref<128x128xf32, #tpu.memory_space<vmem>>, vector<1x16xf32>,
        %swap3A_1158 = vector.shape_cast %swap3A_1157 : vector<1x16xf32> to vector<16xf32>
        %swap3A_1159 = vector.shape_cast %mul3A_1154 : vector<16xf32> to vector<1x16xf32>
        tpu.vector_store %arg11[%swap3A_1155, %swap3A_1156], %swap3A_1159 {strides = array<i32>} : memref<128x128xf32, #tpu.memory_space<vmem>>, vector<1x16xf32>,
        %get3A_1160 = arith.index_cast %add3A_1109 : i32 to index
        %get3A_1161 = arith.constant 80 : index
        %get3A_1162 = tpu.vector_load %arg11[%get3A_1160, %get3A_1161] {strides = array<i32>} : memref<128x128xf32, #tpu.memory_space<vmem>>, vector<1x16xf32>,
        %get3A_1163 = vector.shape_cast %get3A_1162 : vector<1x16xf32> to vector<16xf32>
        %mul3A_1164 = arith.mulf %get3A_1163, %gather3A_1105 : vector<16xf32>
        %swap3A_1165 = arith.index_cast %add3A_1109 : i32 to index
        %swap3A_1166 = arith.constant 80 : index
        %swap3A_1167 = tpu.vector_load %arg11[%swap3A_1165, %swap3A_1166] {strides = array<i32>} : memref<128x128xf32, #tpu.memory_space<vmem>>, vector<1x16xf32>,
        %swap3A_1168 = vector.shape_cast %swap3A_1167 : vector<1x16xf32> to vector<16xf32>
        %swap3A_1169 = vector.shape_cast %mul3A_1164 : vector<16xf32> to vector<1x16xf32>
        tpu.vector_store %arg11[%swap3A_1165, %swap3A_1166], %swap3A_1169 {strides = array<i32>} : memref<128x128xf32, #tpu.memory_space<vmem>>, vector<1x16xf32>,
        %get3A_1170 = arith.index_cast %add3A_1109 : i32 to index
        %get3A_1171 = arith.constant 96 : index
        %get3A_1172 = tpu.vector_load %arg11[%get3A_1170, %get3A_1171] {strides = array<i32>} : memref<128x128xf32, #tpu.memory_space<vmem>>, vector<1x16xf32>,
        %get3A_1173 = vector.shape_cast %get3A_1172 : vector<1x16xf32> to vector<16xf32>
        %mul3A_1174 = arith.mulf %get3A_1173, %gather3A_1105 : vector<16xf32>
        %swap3A_1175 = arith.index_cast %add3A_1109 : i32 to index
        %swap3A_1176 = arith.constant 96 : index
        %swap3A_1177 = tpu.vector_load %arg11[%swap3A_1175, %swap3A_1176] {strides = array<i32>} : memref<128x128xf32, #tpu.memory_space<vmem>>, vector<1x16xf32>,
        %swap3A_1178 = vector.shape_cast %swap3A_1177 : vector<1x16xf32> to vector<16xf32>
        %swap3A_1179 = vector.shape_cast %mul3A_1174 : vector<16xf32> to vector<1x16xf32>
        tpu.vector_store %arg11[%swap3A_1175, %swap3A_1176], %swap3A_1179 {strides = array<i32>} : memref<128x128xf32, #tpu.memory_space<vmem>>, vector<1x16xf32>,
        %get3A_1180 = arith.index_cast %add3A_1109 : i32 to index
        %get3A_1181 = arith.constant 112 : index
        %get3A_1182 = tpu.vector_load %arg11[%get3A_1180, %get3A_1181] {strides = array<i32>} : memref<128x128xf32, #tpu.memory_space<vmem>>, vector<1x16xf32>,
        %get3A_1183 = vector.shape_cast %get3A_1182 : vector<1x16xf32> to vector<16xf32>
        %mul3A_1184 = arith.mulf %get3A_1183, %gather3A_1105 : vector<16xf32>
        %swap3A_1185 = arith.index_cast %add3A_1109 : i32 to index
        %swap3A_1186 = arith.constant 112 : index
        %swap3A_1187 = tpu.vector_load %arg11[%swap3A_1185, %swap3A_1186] {strides = array<i32>} : memref<128x128xf32, #tpu.memory_space<vmem>>, vector<1x16xf32>,
        %swap3A_1188 = vector.shape_cast %swap3A_1187 : vector<1x16xf32> to vector<16xf32>
        %swap3A_1189 = vector.shape_cast %mul3A_1184 : vector<16xf32> to vector<1x16xf32>
        tpu.vector_store %arg11[%swap3A_1185, %swap3A_1186], %swap3A_1189 {strides = array<i32>} : memref<128x128xf32, #tpu.memory_space<vmem>>, vector<1x16xf32>,
        %broadcast_in_dim3A_1190 = arith.constant 13 : i32
        %broadcast_in_dim3A_1191 = vector.broadcast %broadcast_in_dim3A_1190 : i32 to vector<16xi32>
        %broadcast_in_dim3A_1192 = vector.shape_cast %broadcast_in_dim3A_1191 : vector<16xi32> to vector<16x1xi32>
        %gather3A_1193 = vector.shape_cast %broadcast_in_dim3A_1192 : vector<16x1xi32> to vector<16xi32>
        %gather3A_1194 = tpu.dynamic_gather %get3A_35[%gather3A_1193] in [0] : vector<16xf32>, vector<16xi32> -> vector<16xf32>
        %mul3A_1195 = arith.constant 16 : i32
        %mul3A_1196 = arith.muli %scan3A_30, %mul3A_1195 : i32
        %add3A_1197 = arith.constant 13 : i32
        %add3A_1198 = arith.addi %mul3A_1196, %add3A_1197 : i32
        %get3A_1199 = arith.index_cast %add3A_1198 : i32 to index
        %get3A_1200 = arith.constant 0 : index
        %get3A_1201 = tpu.vector_load %arg11[%get3A_1199, %get3A_1200] {strides = array<i32>} : memref<128x128xf32, #tpu.memory_space<vmem>>, vector<1x16xf32>,
        %get3A_1202 = vector.shape_cast %get3A_1201 : vector<1x16xf32> to vector<16xf32>
        %mul3A_1203 = arith.mulf %get3A_1202, %gather3A_1194 : vector<16xf32>
        %swap3A_1204 = arith.index_cast %add3A_1198 : i32 to index
        %swap3A_1205 = arith.constant 0 : index
        %swap3A_1206 = tpu.vector_load %arg11[%swap3A_1204, %swap3A_1205] {strides = array<i32>} : memref<128x128xf32, #tpu.memory_space<vmem>>, vector<1x16xf32>,
        %swap3A_1207 = vector.shape_cast %swap3A_1206 : vector<1x16xf32> to vector<16xf32>
        %swap3A_1208 = vector.shape_cast %mul3A_1203 : vector<16xf32> to vector<1x16xf32>
        tpu.vector_store %arg11[%swap3A_1204, %swap3A_1205], %swap3A_1208 {strides = array<i32>} : memref<128x128xf32, #tpu.memory_space<vmem>>, vector<1x16xf32>,
        %get3A_1209 = arith.index_cast %add3A_1198 : i32 to index
        %get3A_1210 = arith.constant 16 : index
        %get3A_1211 = tpu.vector_load %arg11[%get3A_1209, %get3A_1210] {strides = array<i32>} : memref<128x128xf32, #tpu.memory_space<vmem>>, vector<1x16xf32>,
        %get3A_1212 = vector.shape_cast %get3A_1211 : vector<1x16xf32> to vector<16xf32>
        %mul3A_1213 = arith.mulf %get3A_1212, %gather3A_1194 : vector<16xf32>
        %swap3A_1214 = arith.index_cast %add3A_1198 : i32 to index
        %swap3A_1215 = arith.constant 16 : index
        %swap3A_1216 = tpu.vector_load %arg11[%swap3A_1214, %swap3A_1215] {strides = array<i32>} : memref<128x128xf32, #tpu.memory_space<vmem>>, vector<1x16xf32>,
        %swap3A_1217 = vector.shape_cast %swap3A_1216 : vector<1x16xf32> to vector<16xf32>
        %swap3A_1218 = vector.shape_cast %mul3A_1213 : vector<16xf32> to vector<1x16xf32>
        tpu.vector_store %arg11[%swap3A_1214, %swap3A_1215], %swap3A_1218 {strides = array<i32>} : memref<128x128xf32, #tpu.memory_space<vmem>>, vector<1x16xf32>,
        %get3A_1219 = arith.index_cast %add3A_1198 : i32 to index
        %get3A_1220 = arith.constant 32 : index
        %get3A_1221 = tpu.vector_load %arg11[%get3A_1219, %get3A_1220] {strides = array<i32>} : memref<128x128xf32, #tpu.memory_space<vmem>>, vector<1x16xf32>,
        %get3A_1222 = vector.shape_cast %get3A_1221 : vector<1x16xf32> to vector<16xf32>
        %mul3A_1223 = arith.mulf %get3A_1222, %gather3A_1194 : vector<16xf32>
        %swap3A_1224 = arith.index_cast %add3A_1198 : i32 to index
        %swap3A_1225 = arith.constant 32 : index
        %swap3A_1226 = tpu.vector_load %arg11[%swap3A_1224, %swap3A_1225] {strides = array<i32>} : memref<128x128xf32, #tpu.memory_space<vmem>>, vector<1x16xf32>,
        %swap3A_1227 = vector.shape_cast %swap3A_1226 : vector<1x16xf32> to vector<16xf32>
        %swap3A_1228 = vector.shape_cast %mul3A_1223 : vector<16xf32> to vector<1x16xf32>
        tpu.vector_store %arg11[%swap3A_1224, %swap3A_1225], %swap3A_1228 {strides = array<i32>} : memref<128x128xf32, #tpu.memory_space<vmem>>, vector<1x16xf32>,
        %get3A_1229 = arith.index_cast %add3A_1198 : i32 to index
        %get3A_1230 = arith.constant 48 : index
        %get3A_1231 = tpu.vector_load %arg11[%get3A_1229, %get3A_1230] {strides = array<i32>} : memref<128x128xf32, #tpu.memory_space<vmem>>, vector<1x16xf32>,
        %get3A_1232 = vector.shape_cast %get3A_1231 : vector<1x16xf32> to vector<16xf32>
        %mul3A_1233 = arith.mulf %get3A_1232, %gather3A_1194 : vector<16xf32>
        %swap3A_1234 = arith.index_cast %add3A_1198 : i32 to index
        %swap3A_1235 = arith.constant 48 : index
        %swap3A_1236 = tpu.vector_load %arg11[%swap3A_1234, %swap3A_1235] {strides = array<i32>} : memref<128x128xf32, #tpu.memory_space<vmem>>, vector<1x16xf32>,
        %swap3A_1237 = vector.shape_cast %swap3A_1236 : vector<1x16xf32> to vector<16xf32>
        %swap3A_1238 = vector.shape_cast %mul3A_1233 : vector<16xf32> to vector<1x16xf32>
        tpu.vector_store %arg11[%swap3A_1234, %swap3A_1235], %swap3A_1238 {strides = array<i32>} : memref<128x128xf32, #tpu.memory_space<vmem>>, vector<1x16xf32>,
        %get3A_1239 = arith.index_cast %add3A_1198 : i32 to index
        %get3A_1240 = arith.constant 64 : index
        %get3A_1241 = tpu.vector_load %arg11[%get3A_1239, %get3A_1240] {strides = array<i32>} : memref<128x128xf32, #tpu.memory_space<vmem>>, vector<1x16xf32>,
        %get3A_1242 = vector.shape_cast %get3A_1241 : vector<1x16xf32> to vector<16xf32>
        %mul3A_1243 = arith.mulf %get3A_1242, %gather3A_1194 : vector<16xf32>
        %swap3A_1244 = arith.index_cast %add3A_1198 : i32 to index
        %swap3A_1245 = arith.constant 64 : index
        %swap3A_1246 = tpu.vector_load %arg11[%swap3A_1244, %swap3A_1245] {strides = array<i32>} : memref<128x128xf32, #tpu.memory_space<vmem>>, vector<1x16xf32>,
        %swap3A_1247 = vector.shape_cast %swap3A_1246 : vector<1x16xf32> to vector<16xf32>
        %swap3A_1248 = vector.shape_cast %mul3A_1243 : vector<16xf32> to vector<1x16xf32>
        tpu.vector_store %arg11[%swap3A_1244, %swap3A_1245], %swap3A_1248 {strides = array<i32>} : memref<128x128xf32, #tpu.memory_space<vmem>>, vector<1x16xf32>,
        %get3A_1249 = arith.index_cast %add3A_1198 : i32 to index
        %get3A_1250 = arith.constant 80 : index
        %get3A_1251 = tpu.vector_load %arg11[%get3A_1249, %get3A_1250] {strides = array<i32>} : memref<128x128xf32, #tpu.memory_space<vmem>>, vector<1x16xf32>,
        %get3A_1252 = vector.shape_cast %get3A_1251 : vector<1x16xf32> to vector<16xf32>
        %mul3A_1253 = arith.mulf %get3A_1252, %gather3A_1194 : vector<16xf32>
        %swap3A_1254 = arith.index_cast %add3A_1198 : i32 to index
        %swap3A_1255 = arith.constant 80 : index
        %swap3A_1256 = tpu.vector_load %arg11[%swap3A_1254, %swap3A_1255] {strides = array<i32>} : memref<128x128xf32, #tpu.memory_space<vmem>>, vector<1x16xf32>,
        %swap3A_1257 = vector.shape_cast %swap3A_1256 : vector<1x16xf32> to vector<16xf32>
        %swap3A_1258 = vector.shape_cast %mul3A_1253 : vector<16xf32> to vector<1x16xf32>
        tpu.vector_store %arg11[%swap3A_1254, %swap3A_1255], %swap3A_1258 {strides = array<i32>} : memref<128x128xf32, #tpu.memory_space<vmem>>, vector<1x16xf32>,
        %get3A_1259 = arith.index_cast %add3A_1198 : i32 to index
        %get3A_1260 = arith.constant 96 : index
        %get3A_1261 = tpu.vector_load %arg11[%get3A_1259, %get3A_1260] {strides = array<i32>} : memref<128x128xf32, #tpu.memory_space<vmem>>, vector<1x16xf32>,
        %get3A_1262 = vector.shape_cast %get3A_1261 : vector<1x16xf32> to vector<16xf32>
        %mul3A_1263 = arith.mulf %get3A_1262, %gather3A_1194 : vector<16xf32>
        %swap3A_1264 = arith.index_cast %add3A_1198 : i32 to index
        %swap3A_1265 = arith.constant 96 : index
        %swap3A_1266 = tpu.vector_load %arg11[%swap3A_1264, %swap3A_1265] {strides = array<i32>} : memref<128x128xf32, #tpu.memory_space<vmem>>, vector<1x16xf32>,
        %swap3A_1267 = vector.shape_cast %swap3A_1266 : vector<1x16xf32> to vector<16xf32>
        %swap3A_1268 = vector.shape_cast %mul3A_1263 : vector<16xf32> to vector<1x16xf32>
        tpu.vector_store %arg11[%swap3A_1264, %swap3A_1265], %swap3A_1268 {strides = array<i32>} : memref<128x128xf32, #tpu.memory_space<vmem>>, vector<1x16xf32>,
        %get3A_1269 = arith.index_cast %add3A_1198 : i32 to index
        %get3A_1270 = arith.constant 112 : index
        %get3A_1271 = tpu.vector_load %arg11[%get3A_1269, %get3A_1270] {strides = array<i32>} : memref<128x128xf32, #tpu.memory_space<vmem>>, vector<1x16xf32>,
        %get3A_1272 = vector.shape_cast %get3A_1271 : vector<1x16xf32> to vector<16xf32>
        %mul3A_1273 = arith.mulf %get3A_1272, %gather3A_1194 : vector<16xf32>
        %swap3A_1274 = arith.index_cast %add3A_1198 : i32 to index
        %swap3A_1275 = arith.constant 112 : index
        %swap3A_1276 = tpu.vector_load %arg11[%swap3A_1274, %swap3A_1275] {strides = array<i32>} : memref<128x128xf32, #tpu.memory_space<vmem>>, vector<1x16xf32>,
        %swap3A_1277 = vector.shape_cast %swap3A_1276 : vector<1x16xf32> to vector<16xf32>
        %swap3A_1278 = vector.shape_cast %mul3A_1273 : vector<16xf32> to vector<1x16xf32>
        tpu.vector_store %arg11[%swap3A_1274, %swap3A_1275], %swap3A_1278 {strides = array<i32>} : memref<128x128xf32, #tpu.memory_space<vmem>>, vector<1x16xf32>,
        %broadcast_in_dim3A_1279 = arith.constant 14 : i32
        %broadcast_in_dim3A_1280 = vector.broadcast %broadcast_in_dim3A_1279 : i32 to vector<16xi32>
        %broadcast_in_dim3A_1281 = vector.shape_cast %broadcast_in_dim3A_1280 : vector<16xi32> to vector<16x1xi32>
        %gather3A_1282 = vector.shape_cast %broadcast_in_dim3A_1281 : vector<16x1xi32> to vector<16xi32>
        %gather3A_1283 = tpu.dynamic_gather %get3A_35[%gather3A_1282] in [0] : vector<16xf32>, vector<16xi32> -> vector<16xf32>
        %mul3A_1284 = arith.constant 16 : i32
        %mul3A_1285 = arith.muli %scan3A_30, %mul3A_1284 : i32
        %add3A_1286 = arith.constant 14 : i32
        %add3A_1287 = arith.addi %mul3A_1285, %add3A_1286 : i32
        %get3A_1288 = arith.index_cast %add3A_1287 : i32 to index
        %get3A_1289 = arith.constant 0 : index
        %get3A_1290 = tpu.vector_load %arg11[%get3A_1288, %get3A_1289] {strides = array<i32>} : memref<128x128xf32, #tpu.memory_space<vmem>>, vector<1x16xf32>,
        %get3A_1291 = vector.shape_cast %get3A_1290 : vector<1x16xf32> to vector<16xf32>
        %mul3A_1292 = arith.mulf %get3A_1291, %gather3A_1283 : vector<16xf32>
        %swap3A_1293 = arith.index_cast %add3A_1287 : i32 to index
        %swap3A_1294 = arith.constant 0 : index
        %swap3A_1295 = tpu.vector_load %arg11[%swap3A_1293, %swap3A_1294] {strides = array<i32>} : memref<128x128xf32, #tpu.memory_space<vmem>>, vector<1x16xf32>,
        %swap3A_1296 = vector.shape_cast %swap3A_1295 : vector<1x16xf32> to vector<16xf32>
        %swap3A_1297 = vector.shape_cast %mul3A_1292 : vector<16xf32> to vector<1x16xf32>
        tpu.vector_store %arg11[%swap3A_1293, %swap3A_1294], %swap3A_1297 {strides = array<i32>} : memref<128x128xf32, #tpu.memory_space<vmem>>, vector<1x16xf32>,
        %get3A_1298 = arith.index_cast %add3A_1287 : i32 to index
        %get3A_1299 = arith.constant 16 : index
        %get3A_1300 = tpu.vector_load %arg11[%get3A_1298, %get3A_1299] {strides = array<i32>} : memref<128x128xf32, #tpu.memory_space<vmem>>, vector<1x16xf32>,
        %get3A_1301 = vector.shape_cast %get3A_1300 : vector<1x16xf32> to vector<16xf32>
        %mul3A_1302 = arith.mulf %get3A_1301, %gather3A_1283 : vector<16xf32>
        %swap3A_1303 = arith.index_cast %add3A_1287 : i32 to index
        %swap3A_1304 = arith.constant 16 : index
        %swap3A_1305 = tpu.vector_load %arg11[%swap3A_1303, %swap3A_1304] {strides = array<i32>} : memref<128x128xf32, #tpu.memory_space<vmem>>, vector<1x16xf32>,
        %swap3A_1306 = vector.shape_cast %swap3A_1305 : vector<1x16xf32> to vector<16xf32>
        %swap3A_1307 = vector.shape_cast %mul3A_1302 : vector<16xf32> to vector<1x16xf32>
        tpu.vector_store %arg11[%swap3A_1303, %swap3A_1304], %swap3A_1307 {strides = array<i32>} : memref<128x128xf32, #tpu.memory_space<vmem>>, vector<1x16xf32>,
        %get3A_1308 = arith.index_cast %add3A_1287 : i32 to index
        %get3A_1309 = arith.constant 32 : index
        %get3A_1310 = tpu.vector_load %arg11[%get3A_1308, %get3A_1309] {strides = array<i32>} : memref<128x128xf32, #tpu.memory_space<vmem>>, vector<1x16xf32>,
        %get3A_1311 = vector.shape_cast %get3A_1310 : vector<1x16xf32> to vector<16xf32>
        %mul3A_1312 = arith.mulf %get3A_1311, %gather3A_1283 : vector<16xf32>
        %swap3A_1313 = arith.index_cast %add3A_1287 : i32 to index
        %swap3A_1314 = arith.constant 32 : index
        %swap3A_1315 = tpu.vector_load %arg11[%swap3A_1313, %swap3A_1314] {strides = array<i32>} : memref<128x128xf32, #tpu.memory_space<vmem>>, vector<1x16xf32>,
        %swap3A_1316 = vector.shape_cast %swap3A_1315 : vector<1x16xf32> to vector<16xf32>
        %swap3A_1317 = vector.shape_cast %mul3A_1312 : vector<16xf32> to vector<1x16xf32>
        tpu.vector_store %arg11[%swap3A_1313, %swap3A_1314], %swap3A_1317 {strides = array<i32>} : memref<128x128xf32, #tpu.memory_space<vmem>>, vector<1x16xf32>,
        %get3A_1318 = arith.index_cast %add3A_1287 : i32 to index
        %get3A_1319 = arith.constant 48 : index
        %get3A_1320 = tpu.vector_load %arg11[%get3A_1318, %get3A_1319] {strides = array<i32>} : memref<128x128xf32, #tpu.memory_space<vmem>>, vector<1x16xf32>,
        %get3A_1321 = vector.shape_cast %get3A_1320 : vector<1x16xf32> to vector<16xf32>
        %mul3A_1322 = arith.mulf %get3A_1321, %gather3A_1283 : vector<16xf32>
        %swap3A_1323 = arith.index_cast %add3A_1287 : i32 to index
        %swap3A_1324 = arith.constant 48 : index
        %swap3A_1325 = tpu.vector_load %arg11[%swap3A_1323, %swap3A_1324] {strides = array<i32>} : memref<128x128xf32, #tpu.memory_space<vmem>>, vector<1x16xf32>,
        %swap3A_1326 = vector.shape_cast %swap3A_1325 : vector<1x16xf32> to vector<16xf32>
        %swap3A_1327 = vector.shape_cast %mul3A_1322 : vector<16xf32> to vector<1x16xf32>
        tpu.vector_store %arg11[%swap3A_1323, %swap3A_1324], %swap3A_1327 {strides = array<i32>} : memref<128x128xf32, #tpu.memory_space<vmem>>, vector<1x16xf32>,
        %get3A_1328 = arith.index_cast %add3A_1287 : i32 to index
        %get3A_1329 = arith.constant 64 : index
        %get3A_1330 = tpu.vector_load %arg11[%get3A_1328, %get3A_1329] {strides = array<i32>} : memref<128x128xf32, #tpu.memory_space<vmem>>, vector<1x16xf32>,
        %get3A_1331 = vector.shape_cast %get3A_1330 : vector<1x16xf32> to vector<16xf32>
        %mul3A_1332 = arith.mulf %get3A_1331, %gather3A_1283 : vector<16xf32>
        %swap3A_1333 = arith.index_cast %add3A_1287 : i32 to index
        %swap3A_1334 = arith.constant 64 : index
        %swap3A_1335 = tpu.vector_load %arg11[%swap3A_1333, %swap3A_1334] {strides = array<i32>} : memref<128x128xf32, #tpu.memory_space<vmem>>, vector<1x16xf32>,
        %swap3A_1336 = vector.shape_cast %swap3A_1335 : vector<1x16xf32> to vector<16xf32>
        %swap3A_1337 = vector.shape_cast %mul3A_1332 : vector<16xf32> to vector<1x16xf32>
        tpu.vector_store %arg11[%swap3A_1333, %swap3A_1334], %swap3A_1337 {strides = array<i32>} : memref<128x128xf32, #tpu.memory_space<vmem>>, vector<1x16xf32>,
        %get3A_1338 = arith.index_cast %add3A_1287 : i32 to index
        %get3A_1339 = arith.constant 80 : index
        %get3A_1340 = tpu.vector_load %arg11[%get3A_1338, %get3A_1339] {strides = array<i32>} : memref<128x128xf32, #tpu.memory_space<vmem>>, vector<1x16xf32>,
        %get3A_1341 = vector.shape_cast %get3A_1340 : vector<1x16xf32> to vector<16xf32>
        %mul3A_1342 = arith.mulf %get3A_1341, %gather3A_1283 : vector<16xf32>
        %swap3A_1343 = arith.index_cast %add3A_1287 : i32 to index
        %swap3A_1344 = arith.constant 80 : index
        %swap3A_1345 = tpu.vector_load %arg11[%swap3A_1343, %swap3A_1344] {strides = array<i32>} : memref<128x128xf32, #tpu.memory_space<vmem>>, vector<1x16xf32>,
        %swap3A_1346 = vector.shape_cast %swap3A_1345 : vector<1x16xf32> to vector<16xf32>
        %swap3A_1347 = vector.shape_cast %mul3A_1342 : vector<16xf32> to vector<1x16xf32>
        tpu.vector_store %arg11[%swap3A_1343, %swap3A_1344], %swap3A_1347 {strides = array<i32>} : memref<128x128xf32, #tpu.memory_space<vmem>>, vector<1x16xf32>,
        %get3A_1348 = arith.index_cast %add3A_1287 : i32 to index
        %get3A_1349 = arith.constant 96 : index
        %get3A_1350 = tpu.vector_load %arg11[%get3A_1348, %get3A_1349] {strides = array<i32>} : memref<128x128xf32, #tpu.memory_space<vmem>>, vector<1x16xf32>,
        %get3A_1351 = vector.shape_cast %get3A_1350 : vector<1x16xf32> to vector<16xf32>
        %mul3A_1352 = arith.mulf %get3A_1351, %gather3A_1283 : vector<16xf32>
        %swap3A_1353 = arith.index_cast %add3A_1287 : i32 to index
        %swap3A_1354 = arith.constant 96 : index
        %swap3A_1355 = tpu.vector_load %arg11[%swap3A_1353, %swap3A_1354] {strides = array<i32>} : memref<128x128xf32, #tpu.memory_space<vmem>>, vector<1x16xf32>,
        %swap3A_1356 = vector.shape_cast %swap3A_1355 : vector<1x16xf32> to vector<16xf32>
        %swap3A_1357 = vector.shape_cast %mul3A_1352 : vector<16xf32> to vector<1x16xf32>
        tpu.vector_store %arg11[%swap3A_1353, %swap3A_1354], %swap3A_1357 {strides = array<i32>} : memref<128x128xf32, #tpu.memory_space<vmem>>, vector<1x16xf32>,
        %get3A_1358 = arith.index_cast %add3A_1287 : i32 to index
        %get3A_1359 = arith.constant 112 : index
        %get3A_1360 = tpu.vector_load %arg11[%get3A_1358, %get3A_1359] {strides = array<i32>} : memref<128x128xf32, #tpu.memory_space<vmem>>, vector<1x16xf32>,
        %get3A_1361 = vector.shape_cast %get3A_1360 : vector<1x16xf32> to vector<16xf32>
        %mul3A_1362 = arith.mulf %get3A_1361, %gather3A_1283 : vector<16xf32>
        %swap3A_1363 = arith.index_cast %add3A_1287 : i32 to index
        %swap3A_1364 = arith.constant 112 : index
        %swap3A_1365 = tpu.vector_load %arg11[%swap3A_1363, %swap3A_1364] {strides = array<i32>} : memref<128x128xf32, #tpu.memory_space<vmem>>, vector<1x16xf32>,
        %swap3A_1366 = vector.shape_cast %swap3A_1365 : vector<1x16xf32> to vector<16xf32>
        %swap3A_1367 = vector.shape_cast %mul3A_1362 : vector<16xf32> to vector<1x16xf32>
        tpu.vector_store %arg11[%swap3A_1363, %swap3A_1364], %swap3A_1367 {strides = array<i32>} : memref<128x128xf32, #tpu.memory_space<vmem>>, vector<1x16xf32>,
        %broadcast_in_dim3A_1368 = arith.constant 15 : i32
        %broadcast_in_dim3A_1369 = vector.broadcast %broadcast_in_dim3A_1368 : i32 to vector<16xi32>
        %broadcast_in_dim3A_1370 = vector.shape_cast %broadcast_in_dim3A_1369 : vector<16xi32> to vector<16x1xi32>
        %gather3A_1371 = vector.shape_cast %broadcast_in_dim3A_1370 : vector<16x1xi32> to vector<16xi32>
        %gather3A_1372 = tpu.dynamic_gather %get3A_35[%gather3A_1371] in [0] : vector<16xf32>, vector<16xi32> -> vector<16xf32>
        %mul3A_1373 = arith.constant 16 : i32
        %mul3A_1374 = arith.muli %scan3A_30, %mul3A_1373 : i32
        %add3A_1375 = arith.constant 15 : i32
        %add3A_1376 = arith.addi %mul3A_1374, %add3A_1375 : i32
        %get3A_1377 = arith.index_cast %add3A_1376 : i32 to index
        %get3A_1378 = arith.constant 0 : index
        %get3A_1379 = tpu.vector_load %arg11[%get3A_1377, %get3A_1378] {strides = array<i32>} : memref<128x128xf32, #tpu.memory_space<vmem>>, vector<1x16xf32>,
        %get3A_1380 = vector.shape_cast %get3A_1379 : vector<1x16xf32> to vector<16xf32>
        %mul3A_1381 = arith.mulf %get3A_1380, %gather3A_1372 : vector<16xf32>
        %swap3A_1382 = arith.index_cast %add3A_1376 : i32 to index
        %swap3A_1383 = arith.constant 0 : index
        %swap3A_1384 = tpu.vector_load %arg11[%swap3A_1382, %swap3A_1383] {strides = array<i32>} : memref<128x128xf32, #tpu.memory_space<vmem>>, vector<1x16xf32>,
        %swap3A_1385 = vector.shape_cast %swap3A_1384 : vector<1x16xf32> to vector<16xf32>
        %swap3A_1386 = vector.shape_cast %mul3A_1381 : vector<16xf32> to vector<1x16xf32>
        tpu.vector_store %arg11[%swap3A_1382, %swap3A_1383], %swap3A_1386 {strides = array<i32>} : memref<128x128xf32, #tpu.memory_space<vmem>>, vector<1x16xf32>,
        %get3A_1387 = arith.index_cast %add3A_1376 : i32 to index
        %get3A_1388 = arith.constant 16 : index
        %get3A_1389 = tpu.vector_load %arg11[%get3A_1387, %get3A_1388] {strides = array<i32>} : memref<128x128xf32, #tpu.memory_space<vmem>>, vector<1x16xf32>,
        %get3A_1390 = vector.shape_cast %get3A_1389 : vector<1x16xf32> to vector<16xf32>
        %mul3A_1391 = arith.mulf %get3A_1390, %gather3A_1372 : vector<16xf32>
        %swap3A_1392 = arith.index_cast %add3A_1376 : i32 to index
        %swap3A_1393 = arith.constant 16 : index
        %swap3A_1394 = tpu.vector_load %arg11[%swap3A_1392, %swap3A_1393] {strides = array<i32>} : memref<128x128xf32, #tpu.memory_space<vmem>>, vector<1x16xf32>,
        %swap3A_1395 = vector.shape_cast %swap3A_1394 : vector<1x16xf32> to vector<16xf32>
        %swap3A_1396 = vector.shape_cast %mul3A_1391 : vector<16xf32> to vector<1x16xf32>
        tpu.vector_store %arg11[%swap3A_1392, %swap3A_1393], %swap3A_1396 {strides = array<i32>} : memref<128x128xf32, #tpu.memory_space<vmem>>, vector<1x16xf32>,
        %get3A_1397 = arith.index_cast %add3A_1376 : i32 to index
        %get3A_1398 = arith.constant 32 : index
        %get3A_1399 = tpu.vector_load %arg11[%get3A_1397, %get3A_1398] {strides = array<i32>} : memref<128x128xf32, #tpu.memory_space<vmem>>, vector<1x16xf32>,
        %get3A_1400 = vector.shape_cast %get3A_1399 : vector<1x16xf32> to vector<16xf32>
        %mul3A_1401 = arith.mulf %get3A_1400, %gather3A_1372 : vector<16xf32>
        %swap3A_1402 = arith.index_cast %add3A_1376 : i32 to index
        %swap3A_1403 = arith.constant 32 : index
        %swap3A_1404 = tpu.vector_load %arg11[%swap3A_1402, %swap3A_1403] {strides = array<i32>} : memref<128x128xf32, #tpu.memory_space<vmem>>, vector<1x16xf32>,
        %swap3A_1405 = vector.shape_cast %swap3A_1404 : vector<1x16xf32> to vector<16xf32>
        %swap3A_1406 = vector.shape_cast %mul3A_1401 : vector<16xf32> to vector<1x16xf32>
        tpu.vector_store %arg11[%swap3A_1402, %swap3A_1403], %swap3A_1406 {strides = array<i32>} : memref<128x128xf32, #tpu.memory_space<vmem>>, vector<1x16xf32>,
        %get3A_1407 = arith.index_cast %add3A_1376 : i32 to index
        %get3A_1408 = arith.constant 48 : index
        %get3A_1409 = tpu.vector_load %arg11[%get3A_1407, %get3A_1408] {strides = array<i32>} : memref<128x128xf32, #tpu.memory_space<vmem>>, vector<1x16xf32>,
        %get3A_1410 = vector.shape_cast %get3A_1409 : vector<1x16xf32> to vector<16xf32>
        %mul3A_1411 = arith.mulf %get3A_1410, %gather3A_1372 : vector<16xf32>
        %swap3A_1412 = arith.index_cast %add3A_1376 : i32 to index
        %swap3A_1413 = arith.constant 48 : index
        %swap3A_1414 = tpu.vector_load %arg11[%swap3A_1412, %swap3A_1413] {strides = array<i32>} : memref<128x128xf32, #tpu.memory_space<vmem>>, vector<1x16xf32>,
        %swap3A_1415 = vector.shape_cast %swap3A_1414 : vector<1x16xf32> to vector<16xf32>
        %swap3A_1416 = vector.shape_cast %mul3A_1411 : vector<16xf32> to vector<1x16xf32>
        tpu.vector_store %arg11[%swap3A_1412, %swap3A_1413], %swap3A_1416 {strides = array<i32>} : memref<128x128xf32, #tpu.memory_space<vmem>>, vector<1x16xf32>,
        %get3A_1417 = arith.index_cast %add3A_1376 : i32 to index
        %get3A_1418 = arith.constant 64 : index
        %get3A_1419 = tpu.vector_load %arg11[%get3A_1417, %get3A_1418] {strides = array<i32>} : memref<128x128xf32, #tpu.memory_space<vmem>>, vector<1x16xf32>,
        %get3A_1420 = vector.shape_cast %get3A_1419 : vector<1x16xf32> to vector<16xf32>
        %mul3A_1421 = arith.mulf %get3A_1420, %gather3A_1372 : vector<16xf32>
        %swap3A_1422 = arith.index_cast %add3A_1376 : i32 to index
        %swap3A_1423 = arith.constant 64 : index
        %swap3A_1424 = tpu.vector_load %arg11[%swap3A_1422, %swap3A_1423] {strides = array<i32>} : memref<128x128xf32, #tpu.memory_space<vmem>>, vector<1x16xf32>,
        %swap3A_1425 = vector.shape_cast %swap3A_1424 : vector<1x16xf32> to vector<16xf32>
        %swap3A_1426 = vector.shape_cast %mul3A_1421 : vector<16xf32> to vector<1x16xf32>
        tpu.vector_store %arg11[%swap3A_1422, %swap3A_1423], %swap3A_1426 {strides = array<i32>} : memref<128x128xf32, #tpu.memory_space<vmem>>, vector<1x16xf32>,
        %get3A_1427 = arith.index_cast %add3A_1376 : i32 to index
        %get3A_1428 = arith.constant 80 : index
        %get3A_1429 = tpu.vector_load %arg11[%get3A_1427, %get3A_1428] {strides = array<i32>} : memref<128x128xf32, #tpu.memory_space<vmem>>, vector<1x16xf32>,
        %get3A_1430 = vector.shape_cast %get3A_1429 : vector<1x16xf32> to vector<16xf32>
        %mul3A_1431 = arith.mulf %get3A_1430, %gather3A_1372 : vector<16xf32>
        %swap3A_1432 = arith.index_cast %add3A_1376 : i32 to index
        %swap3A_1433 = arith.constant 80 : index
        %swap3A_1434 = tpu.vector_load %arg11[%swap3A_1432, %swap3A_1433] {strides = array<i32>} : memref<128x128xf32, #tpu.memory_space<vmem>>, vector<1x16xf32>,
        %swap3A_1435 = vector.shape_cast %swap3A_1434 : vector<1x16xf32> to vector<16xf32>
        %swap3A_1436 = vector.shape_cast %mul3A_1431 : vector<16xf32> to vector<1x16xf32>
        tpu.vector_store %arg11[%swap3A_1432, %swap3A_1433], %swap3A_1436 {strides = array<i32>} : memref<128x128xf32, #tpu.memory_space<vmem>>, vector<1x16xf32>,
        %get3A_1437 = arith.index_cast %add3A_1376 : i32 to index
        %get3A_1438 = arith.constant 96 : index
        %get3A_1439 = tpu.vector_load %arg11[%get3A_1437, %get3A_1438] {strides = array<i32>} : memref<128x128xf32, #tpu.memory_space<vmem>>, vector<1x16xf32>,
        %get3A_1440 = vector.shape_cast %get3A_1439 : vector<1x16xf32> to vector<16xf32>
        %mul3A_1441 = arith.mulf %get3A_1440, %gather3A_1372 : vector<16xf32>
        %swap3A_1442 = arith.index_cast %add3A_1376 : i32 to index
        %swap3A_1443 = arith.constant 96 : index
        %swap3A_1444 = tpu.vector_load %arg11[%swap3A_1442, %swap3A_1443] {strides = array<i32>} : memref<128x128xf32, #tpu.memory_space<vmem>>, vector<1x16xf32>,
        %swap3A_1445 = vector.shape_cast %swap3A_1444 : vector<1x16xf32> to vector<16xf32>
        %swap3A_1446 = vector.shape_cast %mul3A_1441 : vector<16xf32> to vector<1x16xf32>
        tpu.vector_store %arg11[%swap3A_1442, %swap3A_1443], %swap3A_1446 {strides = array<i32>} : memref<128x128xf32, #tpu.memory_space<vmem>>, vector<1x16xf32>,
        %get3A_1447 = arith.index_cast %add3A_1376 : i32 to index
        %get3A_1448 = arith.constant 112 : index
        %get3A_1449 = tpu.vector_load %arg11[%get3A_1447, %get3A_1448] {strides = array<i32>} : memref<128x128xf32, #tpu.memory_space<vmem>>, vector<1x16xf32>,
        %get3A_1450 = vector.shape_cast %get3A_1449 : vector<1x16xf32> to vector<16xf32>
        %mul3A_1451 = arith.mulf %get3A_1450, %gather3A_1372 : vector<16xf32>
        %swap3A_1452 = arith.index_cast %add3A_1376 : i32 to index
        %swap3A_1453 = arith.constant 112 : index
        %swap3A_1454 = tpu.vector_load %arg11[%swap3A_1452, %swap3A_1453] {strides = array<i32>} : memref<128x128xf32, #tpu.memory_space<vmem>>, vector<1x16xf32>,
        %swap3A_1455 = vector.shape_cast %swap3A_1454 : vector<1x16xf32> to vector<16xf32>
        %swap3A_1456 = vector.shape_cast %mul3A_1451 : vector<16xf32> to vector<1x16xf32>
        tpu.vector_store %arg11[%swap3A_1452, %swap3A_1453], %swap3A_1456 {strides = array<i32>} : memref<128x128xf32, #tpu.memory_space<vmem>>, vector<1x16xf32>,
      }
      %scan3A_29 = arith.constant 8 : i32
      "tpu.region"() ({
        %run_scoped3A = tpu.sem_alloc : memref<!tpu.dma_semaphore, #tpu.memory_space<semaphore_mem>>
        %dma_start3A_30 = arith.constant 0 : i32
        %dma_start3A_31 = tpu.memref_slice %arg9[%scan3A_13, %dma_start3A_30] : memref<80x128xi32, #tpu.memory_space<vmem>> -> memref<1x128xi32, #tpu.memory_space<vmem>>
        %dma_start3A_32 = tpu.memref_squeeze %dma_start3A_31 : memref<1x128xi32, #tpu.memory_space<vmem>> -> memref<128xi32, #tpu.memory_space<vmem>>
        %dma_start3A_33 = arith.constant 0 : i32
        %dma_start3A_34 = arith.constant 0 : i32
        %dma_start3A_35 = tpu.memref_slice %arg12[%dma_start3A_33, %dma_start3A_34] : memref<10240x128xf32, #tpu.memory_space<vmem_shared>> -> memref<10240x128xf32, #tpu.memory_space<vmem_shared>>
        tpu.enqueue_indirect_dma source(%arg11 : memref<128x128xf32, #tpu.memory_space<vmem>>) target(%dma_start3A_35 : memref<10240x128xf32, #tpu.memory_space<vmem_shared>>) offsets(%dma_start3A_32 : memref<128xi32, #tpu.memory_space<vmem>>) semaphore(%run_scoped3A : memref<!tpu.dma_semaphore, #tpu.memory_space<semaphore_mem>>) {add = true}
        %dma_wait3A_36 = arith.constant 0 : i32
        %dma_wait3A_37 = tpu.memref_slice %arg9[%scan3A_13, %dma_wait3A_36] : memref<80x128xi32, #tpu.memory_space<vmem>> -> memref<1x128xi32, #tpu.memory_space<vmem>>
        %dma_wait3A_38 = tpu.memref_squeeze %dma_wait3A_37 : memref<1x128xi32, #tpu.memory_space<vmem>> -> memref<128xi32, #tpu.memory_space<vmem>>
        %dma_wait3A_39 = arith.constant 0 : i32
        %dma_wait3A_40 = arith.constant 0 : i32
        %dma_wait3A_41 = tpu.memref_slice %arg12[%dma_wait3A_39, %dma_wait3A_40] : memref<10240x128xf32, #tpu.memory_space<vmem_shared>> -> memref<10240x128xf32, #tpu.memory_space<vmem_shared>>
        tpu.wait_indirect_dma semaphore(%run_scoped3A : memref<!tpu.dma_semaphore, #tpu.memory_space<semaphore_mem>>) src(%arg11 : memref<128x128xf32, #tpu.memory_space<vmem>>) dst(%dma_wait3A_41 : memref<10240x128xf32, #tpu.memory_space<vmem_shared>>)
        tpu.yield
      }) : () -> ()
    }
    %scan3A_5 = arith.constant 80 : i32
    %barrier3A_6 = arith.constant 0 : index
    tpu.barrier barrier_id(%barrier3A_6)
    %mul3A_7 = arith.constant 10240 : i32
    %mul3A_8 = arith.muli %arg0, %mul3A_7 : i32
    %mul3A_9 = arith.constant 640 : i32
    %mul3A_10 = arith.muli %arg1, %mul3A_9 : i32
    %add3A = arith.addi %mul3A_8, %mul3A_10 : i32
    %mul3A_11 = arith.constant 640 : i32
    %mul3A_12 = arith.muli %arg1, %mul3A_11 : i32
    "tpu.region"() ({
      %run_scoped3A = tpu.sem_alloc : memref<!tpu.dma_semaphore, #tpu.memory_space<semaphore_mem>>
      %dma_start3A = arith.constant 0 : i32
      %dma_start3A_13 = tpu.memref_slice %arg7[%add3A, %dma_start3A] : memref<20480x128xf32, #tpu.memory_space<hbm>> -> memref<640x128xf32, #tpu.memory_space<hbm>>
      %dma_start3A_14 = arith.constant 0 : i32
      %dma_start3A_15 = tpu.memref_slice %arg12[%mul3A_12, %dma_start3A_14] : memref<10240x128xf32, #tpu.memory_space<vmem_shared>> -> memref<640x128xf32, #tpu.memory_space<vmem_shared>>
      tpu.enqueue_dma source(%dma_start3A_15 : memref<640x128xf32, #tpu.memory_space<vmem_shared>>) target(%dma_start3A_13 : memref<640x128xf32, #tpu.memory_space<hbm>>) target_semaphore(%run_scoped3A : memref<!tpu.dma_semaphore, #tpu.memory_space<semaphore_mem>>)
      %dma_wait3A = arith.constant 0 : i32
      %dma_wait3A_16 = tpu.memref_slice %arg7[%add3A, %dma_wait3A] : memref<20480x128xf32, #tpu.memory_space<hbm>> -> memref<640x128xf32, #tpu.memory_space<hbm>>
      %dma_wait3A_17 = arith.constant 0 : i32
      %dma_wait3A_18 = tpu.memref_slice %arg12[%mul3A_12, %dma_wait3A_17] : memref<10240x128xf32, #tpu.memory_space<vmem_shared>> -> memref<640x128xf32, #tpu.memory_space<vmem_shared>>
      tpu.wait_dma2 semaphore(%run_scoped3A : memref<!tpu.dma_semaphore, #tpu.memory_space<semaphore_mem>>) src(%dma_wait3A_18 : memref<640x128xf32, #tpu.memory_space<vmem_shared>>) dst(%dma_wait3A_16 : memref<640x128xf32, #tpu.memory_space<hbm>>)
      tpu.yield
    }) : () -> ()
    return
  }
}

module attributes {stable_mosaic.version = 14 : i64} {
  func.func @_matmul_body(%arg0: i32, %arg1: i32, %arg2: memref<400x256xf32, #tpu.memory_space<vmem>>, %arg3: memref<256x128xf32, #tpu.memory_space<vmem>>, %arg4: memref<400x128xf32, #tpu.memory_space<vmem>>) attributes {dimension_semantics = [#tpu.dimension_semantics<arbitrary>, #tpu.dimension_semantics<arbitrary>], iteration_bounds = array<i64: 2, 25>, scalar_prefetch = 0 : i64, scratch_operands = 0 : i64, tpu.core_type = #tpu.core_type<tc>, window_params = [{transform_indices = @transform_0, window_bounds = array<i64: 400, 256>}, {transform_indices = @transform_1, window_bounds = array<i64: 256, 128>}, {transform_indices = @transform_2, window_bounds = array<i64: 400, 128>}]} {
    %get3A = arith.constant 0 : index
    %get3A_0 = arith.constant 0 : index
    %get3A_1 = vector.load %arg2[%get3A, %get3A_0] : memref<400x256xf32, #tpu.memory_space<vmem>>, vector<400x256xf32>
    %get3A_2 = arith.constant 0 : index
    %get3A_3 = arith.constant 0 : index
    %get3A_4 = vector.load %arg3[%get3A_2, %get3A_3] : memref<256x128xf32, #tpu.memory_space<vmem>>, vector<256x128xf32>
    %dot_general3A = arith.constant dense<0.000000e+00> : vector<400x128xf32>
    %dot_general3A_5 = tpu.matmul %get3A_1, %get3A_4, %dot_general3A {dimension_numbers = #tpu.dot_dimension_numbers<[1], [0], [0], [1], [0, 0, 1, 1], [], []>, transpose_lhs_hint = false} : vector<400x256xf32>, vector<256x128xf32>, vector<400x128xf32> -> vector<400x128xf32>
    %swap3A = arith.constant 0 : index
    %swap3A_6 = arith.constant 0 : index
    %swap3A_7 = vector.load %arg4[%swap3A, %swap3A_6] : memref<400x128xf32, #tpu.memory_space<vmem>>, vector<400x128xf32>
    tpu.vector_store %arg4[%swap3A, %swap3A_6], %dot_general3A_5 {strides = array<i32>} : memref<400x128xf32, #tpu.memory_space<vmem>>, vector<400x128xf32>,
    return
  }
  func.func @transform_0(%arg0: i32, %arg1: i32) -> (i32, i32) {
    %c0_i32 = arith.constant 0 : i32
    %c0_i32_0 = arith.constant 0 : i32
    return %arg1, %c0_i32 : i32, i32
  }
  func.func @transform_1(%arg0: i32, %arg1: i32) -> (i32, i32) {
    %c0_i32 = arith.constant 0 : i32
    %c0_i32_0 = arith.constant 0 : i32
    return %c0_i32, %arg0 : i32, i32
  }
  func.func @transform_2(%arg0: i32, %arg1: i32) -> (i32, i32) {
    %mul3A = arith.constant 25 : i32
    %mul3A_0 = arith.muli %arg0, %mul3A : i32
    %add3A = arith.addi %mul3A_0, %arg1 : i32
    %c0_i32 = arith.constant 0 : i32
    %c0_i32_1 = arith.constant 0 : i32
    return %add3A, %c0_i32 : i32, i32
  }
}

</mosaic_0001>

<sc_bundles>
// kernel: kernel.4.cloned.1.call-start
scs
__scs_entry_jumppad:
0x0: {  	(pc) =	sbr.rel $0x88, $3  }
0x1: {  	(tag) =	ssettag $0x0;
	lr =	simm.s32 $0x1  }
0x2: {  	[smem:$0x3F9C] =	sst lr;
	_ =	strace $0xD0000000  }
0x3: {  	_ = 	snop  }
0x4: {  	_ = 	snop  }
0x5: {  	_ = 	snop  }
0x6: {  	_ = 	snop  }
0x7: {  	_ = 	snop  }
__scs_overlays_trampoline_lowered:
0x8: {  	[smem:$0x3FAB] =	sst s0  }
0x9: {  	[smem:$0x3FAC] =	sst s1  }
0xa: {  	[smem:$0x3FAD] =	sst s2  }
0xb: {  	[smem:$0x3FAE] =	sst s3  }
0xc: {  	[smem:$0x3FAF] =	sst s4  }
0xd: {  	[smem:$0x3FB0] =	sst s5  }
0xe: {  	[smem:$0x3FB1] =	sst s6  }
0xf: {  	[smem:$0x3FB2] =	sst s7  }
0x10: {  	[smem:$0x3FB3] =	sst s8  }
0x11: {  	[smem:$0x3FB4] =	sst s9;
	s0 =	simm.s32 @!p0 $0x0  }
0x12: {  	s1 =	sld [smem:$0x3F9A];
	s0 =	simm.s32 @p0 $0x1  }
0x13: {  	[smem:$0x3FB5] =	sst s0;
	s0 =	simm.s32 @!p1 $0x0  }
0x14: {  	s2 =	sld [smem:$0x3F99];
	s0 =	simm.s32 @p1 $0x1  }
0x15: {  	[smem:$0x3FB6] =	sst s0;
	s0 =	simm.s32 @!p2 $0x0  }
0x16: {  	s3 =	sld [smem:$0x3FDB];
	s0 =	simm.s32 @p2 $0x1  }
0x17: {  	s4 =	simm.s32 $0x1BF5;
	[smem:$0x3FB8] =	sst s0  }
0x18: {  	s0 =	sld [smem:$0x3F9B];
	_ =	swait.ge [sflag:s4], $0x0  }
0x19: {  	s7 =	sld [smem:$0x3F9C]  }
0x1a: {  	s8 =	sadd.s32 $0xFFFFE003, lr  }
0x1b: {  	s9 =	sadd.s32 $0xFFFFFEF7, lr;
	s5 =	simm.s32 $0xFFFFFFFF;
	p2 =	slt.u32 s8, $0xFFFFF086  }
0x1c: {  	p1 =	slt.u32 s9, $0xF7A;
	s5 =	simm.s32 @!p2 $0x0  }
0x1d: {  	s5 =	simm.s32 @p1 $0x1;
	p0 =	seq.s32 s7, s2  }
0x1e: {  	s7 =	smul.u32 @!p0 $0xF7A, s2;
	p2 =	seq.s32 @!p0 s5, $0x0  }
0x1f: {  	s9 =	smul.u32 $0xF7A, s1;
	s8 =	simm.s32 @!p0 $0x1BF5;
	p2 =	por !p2, p0  }
0x20: {  	[sflag:s8] =	ssyncset.s32 @!p0 $0xFFFFF086;
	s6 =	sadd.s32 @!p0 s3, s7;
	s7 =	simm.s32 @!p0 $0x108  }
0x21: {  	s3 =	sadd.s32 s3, s9;
	s6 =	sadd.s32 @!p0 $0x88, s6;
	s7 =	simm.s32 @p2 $0x1082  }
0x22: {  	[simem:s7], [sflag:s8] =	dma.local @!p0 [hbm:s6], $0xF7A  }
0x23: {  	s9 =	sor.u32 $0xD0000000, s2;
	s6 =	simm.s32 $0x108;
	_ =	swait.ge @!p0 [sflag:s8], $0x0  }
0x24: {  	s3 =	sadd.s32 $0x88, s3;
	s6 =	simm.s32 @!p1 $0x1082;
	[sflag:s4] =	ssyncset.s32 $0xFFFFF086  }
0x25: {  	[simem:s6], [sflag:s4] =	dma.local [hbm:s3], $0xF7A  }
0x26: {  	[smem:$0x3F9C] =	sst s1;
	(tag) =	ssettag s2;
	_ =	strace s9  }
0x27: {  	s1 =	sld [smem:$0x3FAC]  }
0x28: {  	s2 =	sld [smem:$0x3FAD]  }
0x29: {  	s4 =	sld [smem:$0x3FAF]  }
0x2a: {  	p0 =	seq.s32 s5, $0x0;
	s5 =	sld [smem:$0x3FB0]  }
0x2b: {  	s6 =	sld [smem:$0x3FB1]  }
0x2c: {  	s7 =	sld [smem:$0x3FB2]  }
0x2d: {  	s3 =	simm.s32 $0x108;
	s8 =	sld [smem:$0x3FB3]  }
0x2e: {  	s3 =	simm.s32 @!p0 $0x1082;
	s9 =	sld [smem:$0x3FB4]  }
0x2f: {  	lr =	sadd.s32 s0, s3;
	s0 =	sld [smem:$0x3FAB]  }
0x30: {  	s3 =	sld [smem:$0x3FAE]  }
0x31: {  	[smem:$0x3FB7] =	sst s10  }
0x32: {  	s10 =	sld [smem:$0x3FB5];
	_ =	sdelay $0x3  }
0x33: {  	p0 =	seq.s32 s10, $0x1;
	s10 =	sld [smem:$0x3FB7];
	_ =	sdelay $0x3  }
0x34: {  	[smem:$0x3FB7] =	sst s10  }
0x35: {  	s10 =	sld [smem:$0x3FB6];
	_ =	sdelay $0x3  }
0x36: {  	p1 =	seq.s32 s10, $0x1;
	s10 =	sld [smem:$0x3FB7];
	_ =	sdelay $0x3  }
0x37: {  	[smem:$0x3FB7] =	sst s10  }
0x38: {  	s10 =	sld [smem:$0x3FB8]  }
0x39: {  	_ = 	snop;
	(pc) =	sbr.ind lr, $3  }
0x3a: {  	_ = 	snop  }
0x3b: {  	_ = 	snop  }
0x3c: {  	p2 =	seq.s32 s10, $0x1;
	s10 =	sld [smem:$0x3FB7]  }
0x3d: {  	_ =	shalt  }
0x3e: {  	_ =	shalt  }
0x3f: {  	_ =	shalt  }
0x40: {  	_ =	shalt  }
0x41: {  	_ =	shalt  }
0x42: {  	_ =	shalt  }
0x43: {  	_ =	shalt  }
0x44: {  	_ =	shalt  }
0x45: {  	_ =	shalt  }
0x46: {  	_ =	shalt  }
0x47: {  	_ =	shalt  }
0x48: {  	_ =	shalt  }
0x49: {  	_ =	shalt  }
0x4a: {  	_ =	shalt  }
0x4b: {  	_ =	shalt  }
0x4c: {  	_ =	shalt  }
0x4d: {  	_ =	shalt  }
0x4e: {  	_ =	shalt  }
0x4f: {  	_ =	shalt  }
0x50: {  	_ =	shalt  }
0x51: {  	_ =	shalt  }
0x52: {  	_ =	shalt  }
0x53: {  	_ =	shalt  }
0x54: {  	_ =	shalt  }
0x55: {  	_ =	shalt  }
0x56: {  	_ =	shalt  }
0x57: {  	_ =	shalt  }
0x58: {  	_ =	shalt  }
0x59: {  	_ =	shalt  }
0x5a: {  	_ =	shalt  }
0x5b: {  	_ =	shalt  }
0x5c: {  	_ =	shalt  }
0x5d: {  	_ =	shalt  }
0x5e: {  	_ =	shalt  }
0x5f: {  	_ =	shalt  }
0x60: {  	_ =	shalt  }
0x61: {  	_ =	shalt  }
0x62: {  	_ =	shalt  }
0x63: {  	_ =	shalt  }
0x64: {  	_ =	shalt  }
0x65: {  	_ =	shalt  }
0x66: {  	_ =	shalt  }
0x67: {  	_ =	shalt  }
0x68: {  	_ =	shalt  }
0x69: {  	_ =	shalt  }
0x6a: {  	_ =	shalt  }
0x6b: {  	_ =	shalt  }
0x6c: {  	_ =	shalt  }
0x6d: {  	_ =	shalt  }
0x6e: {  	_ =	shalt  }
0x6f: {  	_ =	shalt  }
0x70: {  	_ =	shalt  }
0x71: {  	_ =	shalt  }
0x72: {  	_ =	shalt  }
0x73: {  	_ =	shalt  }
0x74: {  	_ =	shalt  }
0x75: {  	_ =	shalt  }
0x76: {  	_ =	shalt  }
0x77: {  	_ =	shalt  }
0x78: {  	_ =	shalt  }
0x79: {  	_ =	shalt  }
0x7a: {  	_ =	shalt  }
0x7b: {  	_ =	shalt  }
0x7c: {  	_ =	shalt  }
0x7d: {  	_ =	shalt  }
0x7e: {  	_ =	shalt  }
0x7f: {  	_ =	shalt  }
0x80: {  	_ =	shalt  }
0x81: {  	_ =	shalt  }
0x82: {  	_ =	shalt  }
0x83: {  	_ =	shalt  }
0x84: {  	_ =	shalt  }
0x85: {  	_ =	shalt  }
0x86: {  	_ =	shalt  }
0x87: {  	_ =	shalt  }
.Lfunc_end0:
.L_simem_size_0:
called_computation_lowered:
.L_overlay_start_0:
0x88: {  	s2 =	sld [smem:$0x3FD9]  }
0x89: {  	s3 =	sld [smem:$0x3FFE];
	_ =	sdelay $0x1  }
0x8a: {  	s1 =	srdreg.scid  }
0x8b: {  	s0 =	sand.u32 $0x1, s1  }
0x8c: {  	s17 =	sshll.u32 s0, $0xA;
	s2 =	sadd.s32 s3, s2  }
0x8d: {  	s2 =	sadd.s32 s2, s17  }
0x8e: {  	[smem:$0x3FC3] =	sst s2  }
0x8f: {  	_ = 	snop  }
0x90: {  	s2 =	sld [smem:$0x3FD0];
	(tm) =	ssettm $0x1  }
0x91: {  	s18 =	sld [smem:$0x3FFB];
	_ =	sdelay $0x3  }
0x92: {  	_ =	strace s18  }
0x93: {  	s3 =	sld [smem:$0x3FFC];
	_ =	sdelay $0x3  }
0x94: {  	_ =	strace s3  }
0x95: {  	s3 =	sld [smem:$0x3FFD];
	_ =	sdelay $0x3  }
0x96: {  	_ =	strace s3  }
0x97: {  	_ =	strace $0x8FFFFFFF  }
0x98: {  	s19 =	sld [smem:$0x3FDB];
	_ =	sdelay $0x1  }
0x99: {  	s4 =	simm.s32 $_scs_section_size  }
0x9a: {  	s5 =	simm.s32 $_size__tile_overlayer_lowered;
	s6 =	simm.s32 $_tile_overlayer_lowered  }
0x9b: {  	s22 =	simm.s32 $0x1BFF;
	s21 =	sshll.u32 s6, $0x1;
	s3 =	sadd.s32 s4, s19  }
0x9c: {  	s7 =	simm.s32 $0x0;
	s20 =	sshll.u32 s5, $0x1;
	s5 =	sadd.s32 s21, s3  }
0x9d: {  	[timem:s7], [sflag:s22] =	dma.local [hbm:s5], s20  }
0x9e: {  	_ =	swait.ge [sflag:s22], s20  }
0x9f: {  	s4 =	ssub.s32 $0x0, s20;
	[sflag:s22] =	ssyncset.done $0x0  }
0xa0: {  	[sflag:s22] =	ssyncadd.s32 s4;
	_ =	sdelay $0x1  }
0xa1: {  	s23 =	simm.s32 $0x1B8B  }
0xa2: {  	_ =	swait.ge [sflag:s23], $0x1  }
0xa3: {  	[sflag:s23] =	ssyncset.done $0x0  }
0xa4: {  	s25 =	simm.s32 $0x1B8E;
	s24 =	sld [smem:$0x3FFE];
	[sflag:s23] =	ssyncadd.s32 $0xFFFFFFFF  }
0xa5: {  	s26 =	simm.s32 $execute0_lowered;
	[smem:$0x3FD2] =	sst s25  }
0xa6: {  	s5 =	sshll.u32 s26, $0x1;
	_ =	strace $0x80000046;
	[dreg:$0x1] =	wrdreg $0xFFFFFFFF  }
0xa7: {  	s28 =	simm.s32 $_size_execute0_lowered;
	s3 =	sadd.s32 s3, s5;
	[dreg:$0x0] =	wrdreg $0x0  }
0xa8: {  	s5 =	sshll.u32 s28, $0x1;
	[dreg:$0x2] =	wrdreg s3  }
0xa9: {  	[dreg:$0x3] =	wrdreg s5  }
0xaa: {  	[dreg:$0x4] =	wrdreg $0xC0  }
0xab: {  	_ =	task [dreg:s7], $0x5FFFF  }
0xac: {  	[dreg:$0x1] =	wrdreg $0xFFFFFFFF  }
0xad: {  	[dreg:$0x0] =	wrdreg $0x60  }
0xae: {  	[dreg:$0x2] =	wrdreg s2  }
0xaf: {  	[dreg:$0x3] =	wrdreg s24  }
0xb0: {  	[dreg:$0x4] =	wrdreg $0xB8000  }
0xb1: {  	[dreg:$0x5] =	wrdreg $0x9  }
0xb2: {  	_ =	task.clear_ibuf [dreg:s7], $0x6FFFF;
	_ =	strace $0x90000046  }
0xb3: {  	s29 =	simm.s32 $0x9;
	_ =	strace $0x80000048  }
0xb4: {  	_ =	swait.ge [sflag:s29], $0x1  }
0xb5: {  	[sflag:s29] =	ssyncadd.s32 $0xFFFFFFFF  }
0xb6: {  	_ =	strace $0x90000048  }
0xb7: {  	_ =	sfence  }
0xb8: {  	s30 =	sld [smem:$0x0];
	_ =	sdelay $0x2  }
0xb9: {  	s31 =	sshll.u32 s1, $0xD;
	s1 =	sshrl.u32 s1, $0x2  }
0xba: {  	s3 =	sand.u32 $0x4000, s31;
	s1 =	sadd.s32 s1, s30  }
0xbb: {  	s0 =	sor.u32 s3, s0;
	s1 =	sshll.u32 s1, $0x11  }
0xbc: {  	s0 =	sor.u32 s1, s0  }
0xbd: {  	s0 =	sadd.s32 $0x8F2B, s0  }
0xbe: {  	[sflag:s0] =	ssyncadd.remote.s32 $0x1  }
0xbf: {  	_ =	sfence.sel $0xFFFF  }
0xc0: {  	[dreg:$0x0] =	wrdreg $0xFFFFFFFF;
	(pc) =	sbr.abs _section_cstart, $3  }
0xc1: {  	[dreg:$0x1] =	wrdreg $0xFFFFFFFF  }
0xc2: {  	_ =	task.clear_ibuf [dreg:s7], $0x2FFFF;
	_ =	strace $0x9FFFFFFF  }
0xc3: {  	(tm) =	ssettm $0x7FFFFFFF  }
tec
execute0_lowered:
.L_overlay_start_1:
0x0: {  	(tag) =	ssettag $0x1  }
0x1: {  	s1 =	srdreg.scid;
	s2 =	rddreg [dreg:$0x0]  }
0x2: {  	s0 =	stileid.u32;
	s7 =	rddreg [dreg:$0x1]  }
0x3: {  	s3 =	rddreg [dreg:$0x2];
	s4 =	simm.s32 $0x0;
	s16 =	simm.s32 $0x80  }
0x4: {  	s17 =	simm.s32 $0x7800;
	s18 =	simm.s32 $0x1;
	s19 =	simm.s32 $0x0  }
0x5: {  	s5 =	sand.u32 $0x1, s1;
	s6 =	smul.u32 $0x2800, s0;
	s1 =	rddreg [dreg:$0x3]  }
0x6: {  	[smem:$0x7FF] =	sst s4;
	s11 =	smul.u32 $0x50000, s0;
	s14 =	sshll.u32 s0, $0x6  }
0x7: {  	s8 =	smul.u32 $0x28000, s5;
	_ =	strace $0x80000047;
	s29 =	ssub.s32 $0x2, s5  }
0x8: {  	s5 =	sadd.s32 $0x14A00, s7;
	s14 =	sor.u32 $0x1C02, s14;
	s30 =	sshrl.u32 s29, $0x1  }
0x9: {  	v0 =	vimm.s32 $0x0;
	s31 =	sshrl.u32 s11, $0x2;
	s11 =	simm.s32 $0x2;
	s8 =	sadd.s32 s6, s8  }
0xa: {  	v1 =	vimm.s32 $0x1;
	v2 =	vimm.s32 $0x2;
	v3 =	vimm.s32 $0x3;
	s6 =	sshrl.u32 s6, $0x3;
	s13 =	ssub.s32 s29, s30;
	s15 =	sadd.s32 s31, s3  }
0xb: {  	v4 =	vimm.s32 $0x4;
	v5 =	vimm.s32 $0x5;
	v6 =	vimm.s32 $0x6;
	s9 =	sshrl.u32 s8, $0x3;
	s10 =	sadd.s32 s6, s7;
	s12 =	sadd.s32 s8, s7  }
0xc: {  	v7 =	vimm.s32 $0x7;
	v8 =	vimm.s32 $0x8;
	v9 =	vimm.s32 $0x9;
	s15 =	sshrl.u32 s15, $0x3;
	s9 =	sadd.s32 s9, s7;
	s7 =	sadd.s32 $0xA00, s10  }
0xd: {  	v10 =	vimm.s32 $0xA;
	v11 =	vimm.s32 $0xB;
	v12 =	vimm.s32 $0xC;
	s8 =	sadd.s32 $0xFA00, s10;
	s10 =	smax.u32 s13, $0x1;
	s13 =	simm.s32 $0x5000  }
0xe: {  	v13 =	vimm.s32 $0xD;
	v14 =	vimm.s32 $0xE;
	v15 =	vimm.s32 $0xF;
	s6 =	sadd.s32 $0x5A00, s9;
	s9 =	sadd.s32 $0x17200, s12;
	s12 =	simm.s32 $0x2800  }
.LBB2_1:
0xf: {  	[tilespmem:s4], [sflag:$0x2] =	stream.linear.gather [hbm4b:s6+s4], $0x2800, $0x38;
	[tilespmem:$0x1F800] =	vst v63  }
0x10: {  	_ =	swait.ge [sflag:s11], $0x2800  }
0x11: {  	[sflag:s11] =	ssyncset.done $0x0  }
0x12: {  	[sflag:s11] =	ssyncadd.s32 $0xFFFFD800  }
0x13: {  	[tilespmem:s12], [sflag:$0x2] =	stream.linear.gather [hbm4b:s7+s4], $0x2800, $0x38;
	[tilespmem:$0x1F800] =	vst v63  }
0x14: {  	_ =	swait.ge [sflag:s11], $0x2800  }
0x15: {  	[sflag:s11] =	ssyncset.done $0x0  }
0x16: {  	[sflag:s11] =	ssyncadd.s32 $0xFFFFD800  }
0x17: {  	[tilespmem:s13], [sflag:$0x2] =	stream.linear.gather [hbm4b:s8+s4], $0x2800, $0x38;
	[tilespmem:$0x1F800] =	vst v63  }
0x18: {  	_ =	swait.ge [sflag:s11], $0x2800  }
0x19: {  	[sflag:s11] =	ssyncset.done $0x0  }
0x1a: {  	[sflag:s11] =	ssyncadd.s32 $0xFFFFD800  }
0x1b: {  	[spmem:s15], [sflag:s14] =	dma.local [hbm:s5], $0x2800  }
0x1c: {  	_ =	swait.ge [sflag:s11], $0x2800  }
0x1d: {  	[sflag:s11] =	ssyncset.done $0x0  }
0x1e: {  	[sflag:s11] =	ssyncadd.s32 $0xFFFFD800  }
0x1f: {  	s20 =	simm.s32 $0x0;
	[bflag:$0x0] =	sbarrier.arrive $0xFFFF  }
.LBB2_2:
0x20: {  	s21 =	sshll.u32 s20, $0x7  }
0x21: {  	[tilespmem:s17], [sflag:$0x1] =	stream.indirect.gather [hbm4b:s2+s16], $0x80, s21, s16, $0xb8;
	[tilespmem:$0x1F800] =	vst v63  }
0x22: {  	s23 =	sadd.s32 $0x5000, s21  }
0x23: {  	_ =	swait.ge [sflag:s18], $0x4000;
	v16 =	vmov s23  }
0x24: {  	[sflag:s18] =	ssyncset.done $0x0  }
0x25: {  	s22 =	simm.s32 $0x0;
	[sflag:s18] =	ssyncadd.s32 $0xFFFFC000  }
.LBB2_3:
0x26: {  	s23 =	sshll.u32 s22, $0x4  }
0x27: {  	s23 =	sand.u32 $0x3FFFFFF0, s23  }
0x28: {  	s31 =	sshll.u32 s22, $0xB;
	v17 =	vld.idx.msk [tilespmem:v16+s23+$0x0 ss:$0x1], $0xffff  }
0x29: {  	s23 =	sand.u32 $0x3FFFF800, s31  }
0x2a: {  	v18 =	vld [tilespmem:s23+$0x7800]  }
0x2b: {  	v19 =	vld [tilespmem:s23+$0x7810]  }
0x2c: {  	v20 =	vld [tilespmem:s23+$0x7820]  }
0x2d: {  	v22 =	vld [tilespmem:s23+$0x7830];
	v21 =	vperm.xlane v17, v0  }
0x2e: {  	v23 =	vld [tilespmem:s23+$0x7840]  }
0x2f: {  	v24 =	vld [tilespmem:s23+$0x7850];
	v18 =	vmul.f32 v18, v21  }
0x30: {  	v25 =	vld [tilespmem:s23+$0x7860];
	v19 =	vmul.f32 v19, v21  }
0x31: {  	v38 =	vld [tilespmem:s23+$0x7870];
	[tilespmem:s23+$0x7800] =	vst v18;
	v18 =	vmul.f32 v20, v21  }
0x32: {  	v39 =	vld [tilespmem:s23+$0x7880];
	[tilespmem:s23+$0x7810] =	vst v19;
	v19 =	vmul.f32 v22, v21  }
0x33: {  	v40 =	vld [tilespmem:s23+$0x7890];
	[tilespmem:s23+$0x7820] =	vst v18;
	v18 =	vmul.f32 v23, v21  }
0x34: {  	v41 =	vld [tilespmem:s23+$0x78A0];
	[tilespmem:s23+$0x7830] =	vst v19;
	v19 =	vmul.f32 v24, v21  }
0x35: {  	v26 =	vld [tilespmem:s23+$0x78B0];
	v42 =	vperm.xlane v17, v1;
	[tilespmem:s23+$0x7840] =	vst v18;
	v18 =	vmul.f32 v25, v21  }
0x36: {  	v43 =	vld [tilespmem:s23+$0x78C0];
	[tilespmem:s23+$0x7850] =	vst v19;
	v19 =	vmul.f32 v38, v21  }
0x37: {  	v44 =	vld [tilespmem:s23+$0x78D0];
	[tilespmem:s23+$0x7860] =	vst v18;
	v18 =	vmul.f32 v39, v42  }
0x38: {  	v45 =	vld [tilespmem:s23+$0x78E0];
	[tilespmem:s23+$0x7870] =	vst v19;
	v19 =	vmul.f32 v40, v42  }
0x39: {  	v46 =	vld [tilespmem:s23+$0x78F0];
	[tilespmem:s23+$0x7880] =	vst v18;
	v18 =	vmul.f32 v41, v42  }
0x3a: {  	v47 =	vld [tilespmem:s23+$0x7900];
	[tilespmem:s23+$0x7890] =	vst v19;
	v19 =	vmul.f32 v26, v42  }
0x3b: {  	v48 =	vld [tilespmem:s23+$0x7910];
	[tilespmem:s23+$0x78A0] =	vst v18;
	v18 =	vmul.f32 v43, v42  }
0x3c: {  	v49 =	vld [tilespmem:s23+$0x7920];
	[tilespmem:s23+$0x78B0] =	vst v19;
	v19 =	vmul.f32 v44, v42  }
0x3d: {  	v51 =	vld [tilespmem:s23+$0x7930];
	v50 =	vperm.xlane v17, v2;
	[tilespmem:s23+$0x78C0] =	vst v18;
	v18 =	vmul.f32 v45, v42  }
0x3e: {  	v52 =	vld [tilespmem:s23+$0x7940];
	[tilespmem:s23+$0x78D0] =	vst v19;
	v19 =	vmul.f32 v46, v42  }
0x3f: {  	v53 =	vld [tilespmem:s23+$0x7950];
	[tilespmem:s23+$0x78E0] =	vst v18;
	v18 =	vmul.f32 v47, v50  }
0x40: {  	v54 =	vld [tilespmem:s23+$0x7960];
	[tilespmem:s23+$0x78F0] =	vst v19;
	v19 =	vmul.f32 v48, v50  }
0x41: {  	v55 =	vld [tilespmem:s23+$0x7970];
	[tilespmem:s23+$0x7900] =	vst v18;
	v18 =	vmul.f32 v49, v50  }
0x42: {  	v56 =	vld [tilespmem:s23+$0x7980];
	[tilespmem:s23+$0x7910] =	vst v19;
	v19 =	vmul.f32 v51, v50  }
0x43: {  	v57 =	vld [tilespmem:s23+$0x7990];
	[tilespmem:s23+$0x7920] =	vst v18;
	v18 =	vmul.f32 v52, v50  }
0x44: {  	v58 =	vld [tilespmem:s23+$0x79A0];
	[tilespmem:s23+$0x7930] =	vst v19;
	v19 =	vmul.f32 v53, v50  }
0x45: {  	v60 =	vld [tilespmem:s23+$0x79B0];
	v59 =	vperm.xlane v17, v3;
	[tilespmem:s23+$0x7940] =	vst v18;
	v18 =	vmul.f32 v54, v50  }
0x46: {  	v61 =	vld [tilespmem:s23+$0x79C0];
	[tilespmem:s23+$0x7950] =	vst v19;
	v19 =	vmul.f32 v55, v50  }
0x47: {  	v62 =	vld [tilespmem:s23+$0x79D0];
	[tilespmem:s23+$0x7960] =	vst v18;
	v18 =	vmul.f32 v56, v59  }
0x48: {  	v63 =	vld [tilespmem:s23+$0x79E0];
	[tilespmem:s23+$0x7970] =	vst v19;
	v19 =	vmul.f32 v57, v59  }
0x49: {  	v28 =	vld [tilespmem:s23+$0x79F0];
	[tilespmem:s23+$0x7980] =	vst v18;
	v18 =	vmul.f32 v58, v59  }
0x4a: {  	v29 =	vld [tilespmem:s23+$0x7A00];
	[tilespmem:s23+$0x7990] =	vst v19;
	v19 =	vmul.f32 v60, v59  }
0x4b: {  	v30 =	vld [tilespmem:s23+$0x7A10];
	[tilespmem:s23+$0x79A0] =	vst v18;
	v18 =	vmul.f32 v61, v59  }
0x4c: {  	v31 =	vld [tilespmem:s23+$0x7A20];
	[tilespmem:s23+$0x79B0] =	vst v19;
	v19 =	vmul.f32 v62, v59  }
0x4d: {  	v33 =	vld [tilespmem:s23+$0x7A30];
	v32 =	vperm.xlane v17, v4;
	[tilespmem:s23+$0x79C0] =	vst v18;
	v18 =	vmul.f32 v63, v59  }
0x4e: {  	v34 =	vld [tilespmem:s23+$0x7A40];
	[tilespmem:s23+$0x79D0] =	vst v19;
	v19 =	vmul.f32 v28, v59  }
0x4f: {  	v35 =	vld [tilespmem:s23+$0x7A50];
	[tilespmem:s23+$0x79E0] =	vst v18;
	v18 =	vmul.f32 v29, v32  }
0x50: {  	v36 =	vld [tilespmem:s23+$0x7A60];
	[tilespmem:s23+$0x79F0] =	vst v19;
	v19 =	vmul.f32 v30, v32  }
0x51: {  	v37 =	vld [tilespmem:s23+$0x7A70];
	[tilespmem:s23+$0x7A00] =	vst v18;
	v18 =	vmul.f32 v31, v32  }
0x52: {  	v38 =	vld [tilespmem:s23+$0x7A80];
	[tilespmem:s23+$0x7A10] =	vst v19;
	v19 =	vmul.f32 v33, v32  }
0x53: {  	v39 =	vld [tilespmem:s23+$0x7A90];
	[tilespmem:s23+$0x7A20] =	vst v18;
	v18 =	vmul.f32 v34, v32  }
0x54: {  	v40 =	vld [tilespmem:s23+$0x7AA0];
	[tilespmem:s23+$0x7A30] =	vst v19;
	v19 =	vmul.f32 v35, v32  }
0x55: {  	v41 =	vperm.xlane v17, v5;
	v42 =	vld [tilespmem:s23+$0x7AB0];
	[tilespmem:s23+$0x7A40] =	vst v18;
	v18 =	vmul.f32 v36, v32  }
0x56: {  	v43 =	vld [tilespmem:s23+$0x7AC0];
	[tilespmem:s23+$0x7A50] =	vst v19;
	v19 =	vmul.f32 v37, v32  }
0x57: {  	v44 =	vld [tilespmem:s23+$0x7AD0];
	[tilespmem:s23+$0x7A60] =	vst v18;
	v18 =	vmul.f32 v38, v41  }
0x58: {  	v45 =	vld [tilespmem:s23+$0x7AE0];
	[tilespmem:s23+$0x7A70] =	vst v19;
	v19 =	vmul.f32 v39, v41  }
0x59: {  	v46 =	vld [tilespmem:s23+$0x7AF0];
	[tilespmem:s23+$0x7A80] =	vst v18;
	v18 =	vmul.f32 v40, v41  }
0x5a: {  	v47 =	vld [tilespmem:s23+$0x7B00];
	[tilespmem:s23+$0x7A90] =	vst v19;
	v19 =	vmul.f32 v42, v41  }
0x5b: {  	v48 =	vld [tilespmem:s23+$0x7B10];
	[tilespmem:s23+$0x7AA0] =	vst v18;
	v18 =	vmul.f32 v43, v41  }
0x5c: {  	v49 =	vld [tilespmem:s23+$0x7B20];
	[tilespmem:s23+$0x7AB0] =	vst v19;
	v19 =	vmul.f32 v44, v41  }
0x5d: {  	v51 =	vld [tilespmem:s23+$0x7B30];
	v50 =	vperm.xlane v17, v6;
	[tilespmem:s23+$0x7AC0] =	vst v18;
	v18 =	vmul.f32 v45, v41  }
0x5e: {  	v52 =	vld [tilespmem:s23+$0x7B40];
	[tilespmem:s23+$0x7AD0] =	vst v19;
	v19 =	vmul.f32 v46, v41  }
0x5f: {  	v53 =	vld [tilespmem:s23+$0x7B50];
	[tilespmem:s23+$0x7AE0] =	vst v18;
	v18 =	vmul.f32 v47, v50  }
0x60: {  	v54 =	vld [tilespmem:s23+$0x7B60];
	[tilespmem:s23+$0x7AF0] =	vst v19;
	v19 =	vmul.f32 v48, v50  }
0x61: {  	v55 =	vld [tilespmem:s23+$0x7B70];
	[tilespmem:s23+$0x7B00] =	vst v18;
	v18 =	vmul.f32 v49, v50  }
0x62: {  	v56 =	vld [tilespmem:s23+$0x7B80];
	[tilespmem:s23+$0x7B10] =	vst v19;
	v19 =	vmul.f32 v51, v50  }
0x63: {  	v57 =	vld [tilespmem:s23+$0x7B90];
	[tilespmem:s23+$0x7B20] =	vst v18;
	v18 =	vmul.f32 v52, v50  }
0x64: {  	v58 =	vld [tilespmem:s23+$0x7BA0];
	[tilespmem:s23+$0x7B30] =	vst v19;
	v19 =	vmul.f32 v53, v50  }
0x65: {  	v60 =	vld [tilespmem:s23+$0x7BB0];
	v59 =	vperm.xlane v17, v7;
	[tilespmem:s23+$0x7B40] =	vst v18;
	v18 =	vmul.f32 v54, v50  }
0x66: {  	v61 =	vld [tilespmem:s23+$0x7BC0];
	[tilespmem:s23+$0x7B50] =	vst v19;
	v19 =	vmul.f32 v55, v50  }
0x67: {  	v62 =	vld [tilespmem:s23+$0x7BD0];
	[tilespmem:s23+$0x7B60] =	vst v18;
	v18 =	vmul.f32 v56, v59  }
0x68: {  	v63 =	vld [tilespmem:s23+$0x7BE0];
	[tilespmem:s23+$0x7B70] =	vst v19;
	v19 =	vmul.f32 v57, v59  }
0x69: {  	v28 =	vld [tilespmem:s23+$0x7BF0];
	[tilespmem:s23+$0x7B80] =	vst v18;
	v18 =	vmul.f32 v58, v59  }
0x6a: {  	v29 =	vld [tilespmem:s23+$0x7C00];
	[tilespmem:s23+$0x7B90] =	vst v19;
	v19 =	vmul.f32 v60, v59  }
0x6b: {  	v30 =	vld [tilespmem:s23+$0x7C10];
	[tilespmem:s23+$0x7BA0] =	vst v18;
	v18 =	vmul.f32 v61, v59  }
0x6c: {  	v31 =	vld [tilespmem:s23+$0x7C20];
	[tilespmem:s23+$0x7BB0] =	vst v19;
	v19 =	vmul.f32 v62, v59  }
0x6d: {  	v33 =	vld [tilespmem:s23+$0x7C30];
	v32 =	vperm.xlane v17, v8;
	[tilespmem:s23+$0x7BC0] =	vst v18;
	v18 =	vmul.f32 v63, v59  }
0x6e: {  	v34 =	vld [tilespmem:s23+$0x7C40];
	[tilespmem:s23+$0x7BD0] =	vst v19;
	v19 =	vmul.f32 v28, v59  }
0x6f: {  	v35 =	vld [tilespmem:s23+$0x7C50];
	[tilespmem:s23+$0x7BE0] =	vst v18;
	v18 =	vmul.f32 v29, v32  }
0x70: {  	v36 =	vld [tilespmem:s23+$0x7C60];
	[tilespmem:s23+$0x7BF0] =	vst v19;
	v19 =	vmul.f32 v30, v32  }
0x71: {  	v37 =	vld [tilespmem:s23+$0x7C70];
	[tilespmem:s23+$0x7C00] =	vst v18;
	v18 =	vmul.f32 v31, v32  }
0x72: {  	v38 =	vld [tilespmem:s23+$0x7C80];
	[tilespmem:s23+$0x7C10] =	vst v19;
	v19 =	vmul.f32 v33, v32  }
0x73: {  	v39 =	vld [tilespmem:s23+$0x7C90];
	[tilespmem:s23+$0x7C20] =	vst v18;
	v18 =	vmul.f32 v34, v32  }
0x74: {  	v40 =	vld [tilespmem:s23+$0x7CA0];
	[tilespmem:s23+$0x7C30] =	vst v19;
	v19 =	vmul.f32 v35, v32  }
0x75: {  	v42 =	vld [tilespmem:s23+$0x7CB0];
	v41 =	vperm.xlane v17, v9;
	[tilespmem:s23+$0x7C40] =	vst v18;
	v18 =	vmul.f32 v36, v32  }
0x76: {  	v43 =	vld [tilespmem:s23+$0x7CC0];
	[tilespmem:s23+$0x7C50] =	vst v19;
	v19 =	vmul.f32 v37, v32  }
0x77: {  	v44 =	vld [tilespmem:s23+$0x7CD0];
	[tilespmem:s23+$0x7C60] =	vst v18;
	v18 =	vmul.f32 v38, v41  }
0x78: {  	v45 =	vld [tilespmem:s23+$0x7CE0];
	[tilespmem:s23+$0x7C70] =	vst v19;
	v19 =	vmul.f32 v39, v41  }
0x79: {  	v46 =	vld [tilespmem:s23+$0x7CF0];
	[tilespmem:s23+$0x7C80] =	vst v18;
	v18 =	vmul.f32 v40, v41  }
0x7a: {  	v47 =	vld [tilespmem:s23+$0x7D00];
	[tilespmem:s23+$0x7C90] =	vst v19;
	v19 =	vmul.f32 v42, v41  }
0x7b: {  	v48 =	vld [tilespmem:s23+$0x7D10];
	[tilespmem:s23+$0x7CA0] =	vst v18;
	v18 =	vmul.f32 v43, v41  }
0x7c: {  	v49 =	vld [tilespmem:s23+$0x7D20];
	[tilespmem:s23+$0x7CB0] =	vst v19;
	v19 =	vmul.f32 v44, v41  }
0x7d: {  	v51 =	vld [tilespmem:s23+$0x7D30];
	v50 =	vperm.xlane v17, v10;
	[tilespmem:s23+$0x7CC0] =	vst v18;
	v18 =	vmul.f32 v45, v41  }
0x7e: {  	v52 =	vld [tilespmem:s23+$0x7D40];
	[tilespmem:s23+$0x7CD0] =	vst v19;
	v19 =	vmul.f32 v46, v41  }
0x7f: {  	v53 =	vld [tilespmem:s23+$0x7D50];
	[tilespmem:s23+$0x7CE0] =	vst v18;
	v18 =	vmul.f32 v47, v50  }
0x80: {  	v54 =	vld [tilespmem:s23+$0x7D60];
	[tilespmem:s23+$0x7CF0] =	vst v19;
	v19 =	vmul.f32 v48, v50  }
0x81: {  	v55 =	vld [tilespmem:s23+$0x7D70];
	[tilespmem:s23+$0x7D00] =	vst v18;
	v18 =	vmul.f32 v49, v50  }
0x82: {  	v56 =	vld [tilespmem:s23+$0x7D80];
	[tilespmem:s23+$0x7D10] =	vst v19;
	v19 =	vmul.f32 v51, v50  }
0x83: {  	v57 =	vld [tilespmem:s23+$0x7D90];
	[tilespmem:s23+$0x7D20] =	vst v18;
	v18 =	vmul.f32 v52, v50  }
0x84: {  	v58 =	vld [tilespmem:s23+$0x7DA0];
	[tilespmem:s23+$0x7D30] =	vst v19;
	v19 =	vmul.f32 v53, v50  }
0x85: {  	v60 =	vld [tilespmem:s23+$0x7DB0];
	v59 =	vperm.xlane v17, v11;
	[tilespmem:s23+$0x7D40] =	vst v18;
	v18 =	vmul.f32 v54, v50  }
0x86: {  	v61 =	vld [tilespmem:s23+$0x7DC0];
	[tilespmem:s23+$0x7D50] =	vst v19;
	v19 =	vmul.f32 v55, v50  }
0x87: {  	v62 =	vld [tilespmem:s23+$0x7DD0];
	[tilespmem:s23+$0x7D60] =	vst v18;
	v18 =	vmul.f32 v56, v59  }
0x88: {  	v63 =	vld [tilespmem:s23+$0x7DE0];
	[tilespmem:s23+$0x7D70] =	vst v19;
	v19 =	vmul.f32 v57, v59  }
0x89: {  	v28 =	vld [tilespmem:s23+$0x7DF0];
	[tilespmem:s23+$0x7D80] =	vst v18;
	v18 =	vmul.f32 v58, v59  }
0x8a: {  	v29 =	vld [tilespmem:s23+$0x7E00];
	[tilespmem:s23+$0x7D90] =	vst v19;
	v19 =	vmul.f32 v60, v59  }
0x8b: {  	v30 =	vld [tilespmem:s23+$0x7E10];
	[tilespmem:s23+$0x7DA0] =	vst v18;
	v18 =	vmul.f32 v61, v59  }
0x8c: {  	v31 =	vld [tilespmem:s23+$0x7E20];
	[tilespmem:s23+$0x7DB0] =	vst v19;
	v19 =	vmul.f32 v62, v59  }
0x8d: {  	v33 =	vld [tilespmem:s23+$0x7E30];
	v32 =	vperm.xlane v17, v12;
	[tilespmem:s23+$0x7DC0] =	vst v18;
	v18 =	vmul.f32 v63, v59  }
0x8e: {  	v34 =	vld [tilespmem:s23+$0x7E40];
	[tilespmem:s23+$0x7DD0] =	vst v19;
	v19 =	vmul.f32 v28, v59  }
0x8f: {  	v35 =	vld [tilespmem:s23+$0x7E50];
	[tilespmem:s23+$0x7DE0] =	vst v18;
	v18 =	vmul.f32 v29, v32  }
0x90: {  	v36 =	vld [tilespmem:s23+$0x7E60];
	[tilespmem:s23+$0x7DF0] =	vst v19;
	v19 =	vmul.f32 v30, v32  }
0x91: {  	v37 =	vld [tilespmem:s23+$0x7E70];
	[tilespmem:s23+$0x7E00] =	vst v18;
	v18 =	vmul.f32 v31, v32  }
0x92: {  	v38 =	vld [tilespmem:s23+$0x7E80];
	[tilespmem:s23+$0x7E10] =	vst v19;
	v19 =	vmul.f32 v33, v32  }
0x93: {  	v39 =	vld [tilespmem:s23+$0x7E90];
	[tilespmem:s23+$0x7E20] =	vst v18;
	v18 =	vmul.f32 v34, v32  }
0x94: {  	v40 =	vld [tilespmem:s23+$0x7EA0];
	[tilespmem:s23+$0x7E30] =	vst v19;
	v19 =	vmul.f32 v35, v32  }
0x95: {  	v42 =	vld [tilespmem:s23+$0x7EB0];
	v41 =	vperm.xlane v17, v13;
	[tilespmem:s23+$0x7E40] =	vst v18;
	v18 =	vmul.f32 v36, v32  }
0x96: {  	v43 =	vld [tilespmem:s23+$0x7EC0];
	[tilespmem:s23+$0x7E50] =	vst v19;
	v19 =	vmul.f32 v37, v32  }
0x97: {  	v44 =	vld [tilespmem:s23+$0x7ED0];
	[tilespmem:s23+$0x7E60] =	vst v18;
	v18 =	vmul.f32 v38, v41  }
0x98: {  	v45 =	vld [tilespmem:s23+$0x7EE0];
	[tilespmem:s23+$0x7E70] =	vst v19;
	v19 =	vmul.f32 v39, v41  }
0x99: {  	v46 =	vld [tilespmem:s23+$0x7EF0];
	[tilespmem:s23+$0x7E80] =	vst v18;
	v18 =	vmul.f32 v40, v41  }
0x9a: {  	v47 =	vld [tilespmem:s23+$0x7F00];
	[tilespmem:s23+$0x7E90] =	vst v19;
	v19 =	vmul.f32 v42, v41  }
0x9b: {  	v48 =	vld [tilespmem:s23+$0x7F10];
	[tilespmem:s23+$0x7EA0] =	vst v18;
	v18 =	vmul.f32 v43, v41  }
0x9c: {  	v49 =	vld [tilespmem:s23+$0x7F20];
	[tilespmem:s23+$0x7EB0] =	vst v19;
	v19 =	vmul.f32 v44, v41  }
0x9d: {  	v51 =	vld [tilespmem:s23+$0x7F30];
	v50 =	vperm.xlane v17, v14;
	[tilespmem:s23+$0x7EC0] =	vst v18;
	v18 =	vmul.f32 v45, v41  }
0x9e: {  	v52 =	vld [tilespmem:s23+$0x7F40];
	[tilespmem:s23+$0x7ED0] =	vst v19;
	v19 =	vmul.f32 v46, v41  }
0x9f: {  	v53 =	vld [tilespmem:s23+$0x7F50];
	[tilespmem:s23+$0x7EE0] =	vst v18;
	v18 =	vmul.f32 v47, v50  }
0xa0: {  	v54 =	vld [tilespmem:s23+$0x7F60];
	[tilespmem:s23+$0x7EF0] =	vst v19;
	v19 =	vmul.f32 v48, v50  }
0xa1: {  	v55 =	vld [tilespmem:s23+$0x7F70];
	[tilespmem:s23+$0x7F00] =	vst v18;
	v18 =	vmul.f32 v49, v50  }
0xa2: {  	v56 =	vld [tilespmem:s23+$0x7F80];
	[tilespmem:s23+$0x7F10] =	vst v19;
	v19 =	vmul.f32 v51, v50  }
0xa3: {  	v57 =	vld [tilespmem:s23+$0x7F90];
	[tilespmem:s23+$0x7F20] =	vst v18;
	v18 =	vmul.f32 v52, v50  }
0xa4: {  	v58 =	vld [tilespmem:s23+$0x7FA0];
	[tilespmem:s23+$0x7F30] =	vst v19;
	v19 =	vmul.f32 v53, v50  }
0xa5: {  	v17 =	vperm.xlane v17, v15;
	v59 =	vld [tilespmem:s23+$0x7FB0];
	[tilespmem:s23+$0x7F40] =	vst v18;
	v18 =	vmul.f32 v54, v50  }
0xa6: {  	v60 =	vld [tilespmem:s23+$0x7FC0];
	[tilespmem:s23+$0x7F50] =	vst v19;
	v19 =	vmul.f32 v55, v50  }
0xa7: {  	v61 =	vld [tilespmem:s23+$0x7FD0];
	[tilespmem:s23+$0x7F60] =	vst v18;
	v18 =	vmul.f32 v56, v17  }
0xa8: {  	v62 =	vld [tilespmem:s23+$0x7FE0];
	[tilespmem:s23+$0x7F70] =	vst v19;
	v19 =	vmul.f32 v57, v17  }
0xa9: {  	v63 =	vld [tilespmem:s23+$0x7FF0];
	[tilespmem:s23+$0x7F80] =	vst v18;
	v18 =	vmul.f32 v58, v17  }
0xaa: {  	[tilespmem:s23+$0x7F90] =	vst v19;
	v19 =	vmul.f32 v59, v17  }
0xab: {  	p0 =	sne.s32 s22, $0x7;
	[tilespmem:s23+$0x7FA0] =	vst v18;
	v18 =	vmul.f32 v60, v17  }
.Ltmp0:
0xac: {  	[tilespmem:s23+$0x7FB0] =	vst v19;
	v19 =	vmul.f32 v61, v17;
	(pc) =	sbr.rel @p0 .LBB2_3-.Ltmp0, $4  }
0xad: {  	[tilespmem:s23+$0x7FC0] =	vst v18;
	v18 =	vmul.f32 v62, v17  }
0xae: {  	[tilespmem:s23+$0x7FD0] =	vst v19;
	v17 =	vmul.f32 v63, v17  }
0xaf: {  	[tilespmem:s23+$0x7FE0] =	vst v18  }
0xb0: {  	s22 =	sadd.s32 $0x1, s22;
	[tilespmem:s23+$0x7FF0] =	vst v17  }
0xb1: {  	s20 =	sadd.s32 $0x1, s20  }
0xb2: {  	p0 =	sne.s32 s20, $0x50  }
.Ltmp1:
0xb3: {  	s21 =	sadd.s32 $0x2800, s21;
	(pc) =	sbr.rel @p0 .LBB2_2-.Ltmp1, $4  }
0xb4: {  	[spmem:s3] =	stream.indirect.scatter.add.f32 [tilespmem:s17], [sflag:$0x2], $0x80, s21, s16, $0xb8;
	[tilespmem:$0x1F800] =	vst v63  }
0xb5: {  	_ =	swait.ge [sflag:s11], $0x4000  }
0xb6: {  	[sflag:s11] =	ssyncset.done $0x0  }
0xb7: {  	[sflag:s11] =	ssyncadd.s32 $0xFFFFC000  }
0xb8: {  	s19 =	sadd.s32 $0x1, s19  }
0xb9: {  	p0 =	sne.s32 s19, s10  }
.Ltmp2:
0xba: {  	[bflag:$0x0] =	sbarrier.arrive $0xFFFF;
	(pc) =	sbr.rel @p0 .LBB2_1-.Ltmp2, $4  }
0xbb: {  	[hbm:s9], [sflag:s14] =	dma.local [spmem:s15], $0x2800  }
0xbc: {  	_ =	swait.ge [sflag:s11], $0x2800  }
0xbd: {  	[sflag:s11] =	ssyncset.done $0x0  }
0xbe: {  	[sflag:s11] =	ssyncadd.s32 $0xFFFFD800  }
0xbf: {  	_ =	sfence.sel $0x180000  }
0xc0: {  	[bflag:$0x0] =	sbarrier.arrive $0xFFFF  }
0xc1: {  	p0 =	sne.s32 s0, $0x0;
	_ =	strace $0x90000047  }
0xc2: {  	s0 =	sadd.s32 @!p0 $0x100000, s1;
	[bflag:$0x2] =	sbarrier.arrive $0xFFFF  }
0xc3: {  	[sflag:s0] =	ssyncadd.tile.s32 @!p0 $0x1;
	_ =	shalt  }
.Lfunc_end2:
_tile_overlayer_lowered:
.L_overlay_start_2:
0xc4: {  	(tag) =	ssettag $0x2  }
0xc5: {  	s0 =	rddreg [dreg:$0x0];
	s2 =	stileid.u32  }
0xc6: {  	s1 =	rddreg [dreg:$0x1];
	p0 =	sne.s32 s2, $0x0  }
0xc7: {  	s3 =	rddreg [dreg:$0x2];
	[bflag:$0x3] =	sbarrier.arrive $0xFFFF;
	s2 =	simm.s32 @!p0 $0x1C02  }
0xc8: {  	[timem:s3], [sflag:s2] =	dma.local @!p0 [hbm:s0], s1  }
0xc9: {  	s0 =	simm.s32 @!p0 $0x2  }
0xca: {  	_ =	swait.ge @!p0 [sflag:s0], s1  }
0xcb: {  	s1 =	ssub.s32 @!p0 $0x0, s1;
	[sflag:s0] =	ssyncset.done @!p0 $0x0  }
0xcc: {  	[sflag:s0] =	ssyncadd.s32 @!p0 s1  }
0xcd: {  	[bflag:$0x3] =	sbarrier.arrive $0xFFFF  }
0xce: {  	_ =	shalt  }

</sc_bundles>
